<compile_context>
chip_gen: v7x
topology: tpu7x:2x2x1
jax: 0.10.2.dev20260603
libtpu: 0.0.44.dev20260713+nightly
codegen_flags: <defaults>
</compile_context>

<pallas_src>
import functools

import jax
import jax.numpy as jnp
from jax import lax
from jax.experimental import pallas as pl
from jax.experimental.pallas import tpu as pltpu
from jax.experimental.pallas import tpu_sc as plsc

EMBED = 32
BATCH = 16384

NUM_CORES = 2
NUM_SUBCORES = 16
NUM_WORKERS = NUM_CORES * NUM_SUBCORES
B_PER_W = BATCH // NUM_WORKERS
COLS = 999424
C_PER_W = COLS // NUM_WORKERS
STEP = 1024
N_STEPS = C_PER_W // STEP


@functools.partial(
    pl.kernel,
    mesh=plsc.VectorSubcoreMesh(core_axis_name="c", subcore_axis_name="s"),
    out_type=jax.ShapeDtypeStruct((EMBED, BATCH), jnp.float32),
    scratch_types=[
        pltpu.VMEM((EMBED, STEP), jnp.float32),
        pltpu.VMEM((EMBED, STEP), jnp.float32),
        pltpu.SemaphoreType.DMA,
        pltpu.SemaphoreType.DMA,
    ],
    compiler_params=pltpu.CompilerParams(
        use_tc_tiling_on_sc=True, needs_layout_passes=False
    ),
)
def _sweep_one(idx_hbm, table_t_hbm, out_hbm, buf_a, buf_b, sem_a, sem_b):
    wid = lax.axis_index("s") * NUM_CORES + lax.axis_index("c")
    cbase = wid * C_PER_W
    base = wid * B_PER_W

    bufs = (buf_a, buf_b)
    sems = (sem_a, sem_b)

    def start(k):
        return pltpu.async_copy(
            table_t_hbm.at[:, pl.ds(cbase + k * STEP, STEP)],
            bufs[k % 2],
            sems[k % 2],
        )

    pending = start(0)
    for k in range(N_STEPS):
        nxt = start(k + 1) if k + 1 < N_STEPS else None
        pending.wait()
        pending = nxt

    pltpu.sync_copy(
        buf_a.at[:, pl.ds(0, B_PER_W)],
        out_hbm.at[:, pl.ds(base, B_PER_W)],
    )


def kernel(user, item, user_table, item_table):
    return (
        _sweep_one(user, user_table.T),
        _sweep_one(item, item_table.T),
    )

# --- scband reference (transcript-rebuilt; emitter-appended) ---
"""Pipeline reference for scband-bpr-26379689132516 (READ-ONLY COPY).

The authoritative reference and input builder live on the scoring server;
editing this copy changes nothing except your own understanding.
"""

import jax, jax.numpy as jnp
import numpy as np

N_USERS = 1000000
N_ITEMS = 1000000
EMBED = 32
BATCH = 16384

def setup_inputs(seed: int = 0) -> dict:
    key = jax.random.key(seed)
    k1, k2, k3, k4 = jax.random.split(key, 4)
    user = jax.random.randint(k1, (BATCH,), 0, N_USERS, dtype=jnp.int64 if jax.config.jax_enable_x64 else jnp.int32)
    item = jax.random.randint(k2, (BATCH,), 0, N_ITEMS, dtype=jnp.int64 if jax.config.jax_enable_x64 else jnp.int32)
    # learned parameters: normal(0, 0.01) init as in BPR
    user_table = jax.random.normal(k3, (N_USERS, EMBED), dtype=jnp.float32) * 0.01
    item_table = jax.random.normal(k4, (N_ITEMS, EMBED), dtype=jnp.float32) * 0.01
    return {"user": user, "item": item, "user_table": user_table, "item_table": item_table}

def reference(user, item, user_table, item_table):
    # BPR.forward: embedding lookups for user and item ids
    user_e = jnp.take(user_table, user, axis=0)
    item_e = jnp.take(item_table, item, axis=0)
    return (user_e, item_e)

if __name__ == "__main__":
    import jax
    _d = setup_inputs()
    print(jax.jit(kernel)(*tuple(_d.values())))

</pallas_src>

<mosaic_0001>
#map = affine_map<(d0, d1) -> (0)>
#map1 = affine_map<(d0, d1) -> (0, 0)>
module attributes {stable_mosaic.version = 14 : i64} {
  func.func @_sweep_one(%arg0: i32, %arg1: i32, %arg2: memref<16384xi32, #tpu.memory_space<hbm>>, %arg3: memref<32x1000000xf32, #tpu.memory_space<hbm>>, %arg4: memref<32x16384xf32, #tpu.memory_space<hbm>>, %arg5: memref<32x1024xf32, #tpu.memory_space<vmem>>, %arg6: memref<32x1024xf32, #tpu.memory_space<vmem>>, %arg7: memref<!tpu.dma_semaphore, #tpu.memory_space<semaphore_mem>>, %arg8: memref<!tpu.dma_semaphore, #tpu.memory_space<semaphore_mem>>) attributes {dimension_semantics = [#tpu.dimension_semantics<core_parallel>, #tpu.dimension_semantics<subcore_parallel>], iteration_bounds = array<i64: 2, 16>, scalar_prefetch = 0 : i64, scratch_operands = 4 : i64, tpu.core_type = #tpu.core_type<sc_vector_subcore>, window_params = [{transform_indices = #map}, {transform_indices = #map1}, {transform_indices = #map1}]} {
    %mul3A = arith.constant 2 : i32
    %mul3A_0 = arith.muli %arg1, %mul3A : i32
    %add3A = arith.addi %mul3A_0, %arg0 : i32
    %mul3A_1 = arith.constant 31232 : i32
    %mul3A_2 = arith.muli %add3A, %mul3A_1 : i32
    %mul3A_3 = arith.constant 512 : i32
    %mul3A_4 = arith.muli %add3A, %mul3A_3 : i32
    %add3A_5 = arith.constant 0 : i32
    %add3A_6 = arith.addi %mul3A_2, %add3A_5 : i32
    %dma_start3A = arith.constant 0 : i32
    %dma_start3A_7 = tpu.memref_slice %arg3[%dma_start3A, %add3A_6] : memref<32x1000000xf32, #tpu.memory_space<hbm>> -> memref<32x1024xf32, #tpu.memory_space<hbm>>
    %dma_start3A_8 = arith.constant 0 : i32
    %dma_start3A_9 = tpu.memref_slice %arg3[%dma_start3A_8, %add3A_6] : memref<32x1000000xf32, #tpu.memory_space<hbm>> -> memref<32x1024xf32, #tpu.memory_space<hbm>>
    tpu.enqueue_dma source(%dma_start3A_9 : memref<32x1024xf32, #tpu.memory_space<hbm>>) target(%arg5 : memref<32x1024xf32, #tpu.memory_space<vmem>>) target_semaphore(%arg7 : memref<!tpu.dma_semaphore, #tpu.memory_space<semaphore_mem>>)
    %add3A_10 = arith.constant 1024 : i32
    %add3A_11 = arith.addi %mul3A_2, %add3A_10 : i32
    %dma_start3A_12 = arith.constant 0 : i32
    %dma_start3A_13 = tpu.memref_slice %arg3[%dma_start3A_12, %add3A_11] : memref<32x1000000xf32, #tpu.memory_space<hbm>> -> memref<32x1024xf32, #tpu.memory_space<hbm>>
    %dma_start3A_14 = arith.constant 0 : i32
    %dma_start3A_15 = tpu.memref_slice %arg3[%dma_start3A_14, %add3A_11] : memref<32x1000000xf32, #tpu.memory_space<hbm>> -> memref<32x1024xf32, #tpu.memory_space<hbm>>
    tpu.enqueue_dma source(%dma_start3A_15 : memref<32x1024xf32, #tpu.memory_space<hbm>>) target(%arg6 : memref<32x1024xf32, #tpu.memory_space<vmem>>) target_semaphore(%arg8 : memref<!tpu.dma_semaphore, #tpu.memory_space<semaphore_mem>>)
    %dma_wait3A = arith.constant 0 : i32
    %dma_wait3A_16 = tpu.memref_slice %arg3[%dma_wait3A, %add3A_6] : memref<32x1000000xf32, #tpu.memory_space<hbm>> -> memref<32x1024xf32, #tpu.memory_space<hbm>>
    %dma_wait3A_17 = arith.constant 0 : i32
    %dma_wait3A_18 = tpu.memref_slice %arg3[%dma_wait3A_17, %add3A_6] : memref<32x1000000xf32, #tpu.memory_space<hbm>> -> memref<32x1024xf32, #tpu.memory_space<hbm>>
    tpu.wait_dma2 semaphore(%arg7 : memref<!tpu.dma_semaphore, #tpu.memory_space<semaphore_mem>>) src(%dma_wait3A_18 : memref<32x1024xf32, #tpu.memory_space<hbm>>) dst(%arg5 : memref<32x1024xf32, #tpu.memory_space<vmem>>)
    %add3A_19 = arith.constant 2048 : i32
    %add3A_20 = arith.addi %mul3A_2, %add3A_19 : i32
    %dma_start3A_21 = arith.constant 0 : i32
    %dma_start3A_22 = tpu.memref_slice %arg3[%dma_start3A_21, %add3A_20] : memref<32x1000000xf32, #tpu.memory_space<hbm>> -> memref<32x1024xf32, #tpu.memory_space<hbm>>
    %dma_start3A_23 = arith.constant 0 : i32
    %dma_start3A_24 = tpu.memref_slice %arg3[%dma_start3A_23, %add3A_20] : memref<32x1000000xf32, #tpu.memory_space<hbm>> -> memref<32x1024xf32, #tpu.memory_space<hbm>>
    tpu.enqueue_dma source(%dma_start3A_24 : memref<32x1024xf32, #tpu.memory_space<hbm>>) target(%arg5 : memref<32x1024xf32, #tpu.memory_space<vmem>>) target_semaphore(%arg7 : memref<!tpu.dma_semaphore, #tpu.memory_space<semaphore_mem>>)
    %dma_wait3A_25 = arith.constant 0 : i32
    %dma_wait3A_26 = tpu.memref_slice %arg3[%dma_wait3A_25, %add3A_11] : memref<32x1000000xf32, #tpu.memory_space<hbm>> -> memref<32x1024xf32, #tpu.memory_space<hbm>>
    %dma_wait3A_27 = arith.constant 0 : i32
    %dma_wait3A_28 = tpu.memref_slice %arg3[%dma_wait3A_27, %add3A_11] : memref<32x1000000xf32, #tpu.memory_space<hbm>> -> memref<32x1024xf32, #tpu.memory_space<hbm>>
    tpu.wait_dma2 semaphore(%arg8 : memref<!tpu.dma_semaphore, #tpu.memory_space<semaphore_mem>>) src(%dma_wait3A_28 : memref<32x1024xf32, #tpu.memory_space<hbm>>) dst(%arg6 : memref<32x1024xf32, #tpu.memory_space<vmem>>)
    %add3A_29 = arith.constant 3072 : i32
    %add3A_30 = arith.addi %mul3A_2, %add3A_29 : i32
    %dma_start3A_31 = arith.constant 0 : i32
    %dma_start3A_32 = tpu.memref_slice %arg3[%dma_start3A_31, %add3A_30] : memref<32x1000000xf32, #tpu.memory_space<hbm>> -> memref<32x1024xf32, #tpu.memory_space<hbm>>
    %dma_start3A_33 = arith.constant 0 : i32
    %dma_start3A_34 = tpu.memref_slice %arg3[%dma_start3A_33, %add3A_30] : memref<32x1000000xf32, #tpu.memory_space<hbm>> -> memref<32x1024xf32, #tpu.memory_space<hbm>>
    tpu.enqueue_dma source(%dma_start3A_34 : memref<32x1024xf32, #tpu.memory_space<hbm>>) target(%arg6 : memref<32x1024xf32, #tpu.memory_space<vmem>>) target_semaphore(%arg8 : memref<!tpu.dma_semaphore, #tpu.memory_space<semaphore_mem>>)
    %dma_wait3A_35 = arith.constant 0 : i32
    %dma_wait3A_36 = tpu.memref_slice %arg3[%dma_wait3A_35, %add3A_20] : memref<32x1000000xf32, #tpu.memory_space<hbm>> -> memref<32x1024xf32, #tpu.memory_space<hbm>>
    %dma_wait3A_37 = arith.constant 0 : i32
    %dma_wait3A_38 = tpu.memref_slice %arg3[%dma_wait3A_37, %add3A_20] : memref<32x1000000xf32, #tpu.memory_space<hbm>> -> memref<32x1024xf32, #tpu.memory_space<hbm>>
    tpu.wait_dma2 semaphore(%arg7 : memref<!tpu.dma_semaphore, #tpu.memory_space<semaphore_mem>>) src(%dma_wait3A_38 : memref<32x1024xf32, #tpu.memory_space<hbm>>) dst(%arg5 : memref<32x1024xf32, #tpu.memory_space<vmem>>)
    %add3A_39 = arith.constant 4096 : i32
    %add3A_40 = arith.addi %mul3A_2, %add3A_39 : i32
    %dma_start3A_41 = arith.constant 0 : i32
    %dma_start3A_42 = tpu.memref_slice %arg3[%dma_start3A_41, %add3A_40] : memref<32x1000000xf32, #tpu.memory_space<hbm>> -> memref<32x1024xf32, #tpu.memory_space<hbm>>
    %dma_start3A_43 = arith.constant 0 : i32
    %dma_start3A_44 = tpu.memref_slice %arg3[%dma_start3A_43, %add3A_40] : memref<32x1000000xf32, #tpu.memory_space<hbm>> -> memref<32x1024xf32, #tpu.memory_space<hbm>>
    tpu.enqueue_dma source(%dma_start3A_44 : memref<32x1024xf32, #tpu.memory_space<hbm>>) target(%arg5 : memref<32x1024xf32, #tpu.memory_space<vmem>>) target_semaphore(%arg7 : memref<!tpu.dma_semaphore, #tpu.memory_space<semaphore_mem>>)
    %dma_wait3A_45 = arith.constant 0 : i32
    %dma_wait3A_46 = tpu.memref_slice %arg3[%dma_wait3A_45, %add3A_30] : memref<32x1000000xf32, #tpu.memory_space<hbm>> -> memref<32x1024xf32, #tpu.memory_space<hbm>>
    %dma_wait3A_47 = arith.constant 0 : i32
    %dma_wait3A_48 = tpu.memref_slice %arg3[%dma_wait3A_47, %add3A_30] : memref<32x1000000xf32, #tpu.memory_space<hbm>> -> memref<32x1024xf32, #tpu.memory_space<hbm>>
    tpu.wait_dma2 semaphore(%arg8 : memref<!tpu.dma_semaphore, #tpu.memory_space<semaphore_mem>>) src(%dma_wait3A_48 : memref<32x1024xf32, #tpu.memory_space<hbm>>) dst(%arg6 : memref<32x1024xf32, #tpu.memory_space<vmem>>)
    %add3A_49 = arith.constant 5120 : i32
    %add3A_50 = arith.addi %mul3A_2, %add3A_49 : i32
    %dma_start3A_51 = arith.constant 0 : i32
    %dma_start3A_52 = tpu.memref_slice %arg3[%dma_start3A_51, %add3A_50] : memref<32x1000000xf32, #tpu.memory_space<hbm>> -> memref<32x1024xf32, #tpu.memory_space<hbm>>
    %dma_start3A_53 = arith.constant 0 : i32
    %dma_start3A_54 = tpu.memref_slice %arg3[%dma_start3A_53, %add3A_50] : memref<32x1000000xf32, #tpu.memory_space<hbm>> -> memref<32x1024xf32, #tpu.memory_space<hbm>>
    tpu.enqueue_dma source(%dma_start3A_54 : memref<32x1024xf32, #tpu.memory_space<hbm>>) target(%arg6 : memref<32x1024xf32, #tpu.memory_space<vmem>>) target_semaphore(%arg8 : memref<!tpu.dma_semaphore, #tpu.memory_space<semaphore_mem>>)
    %dma_wait3A_55 = arith.constant 0 : i32
    %dma_wait3A_56 = tpu.memref_slice %arg3[%dma_wait3A_55, %add3A_40] : memref<32x1000000xf32, #tpu.memory_space<hbm>> -> memref<32x1024xf32, #tpu.memory_space<hbm>>
    %dma_wait3A_57 = arith.constant 0 : i32
    %dma_wait3A_58 = tpu.memref_slice %arg3[%dma_wait3A_57, %add3A_40] : memref<32x1000000xf32, #tpu.memory_space<hbm>> -> memref<32x1024xf32, #tpu.memory_space<hbm>>
    tpu.wait_dma2 semaphore(%arg7 : memref<!tpu.dma_semaphore, #tpu.memory_space<semaphore_mem>>) src(%dma_wait3A_58 : memref<32x1024xf32, #tpu.memory_space<hbm>>) dst(%arg5 : memref<32x1024xf32, #tpu.memory_space<vmem>>)
    %add3A_59 = arith.constant 6144 : i32
    %add3A_60 = arith.addi %mul3A_2, %add3A_59 : i32
    %dma_start3A_61 = arith.constant 0 : i32
    %dma_start3A_62 = tpu.memref_slice %arg3[%dma_start3A_61, %add3A_60] : memref<32x1000000xf32, #tpu.memory_space<hbm>> -> memref<32x1024xf32, #tpu.memory_space<hbm>>
    %dma_start3A_63 = arith.constant 0 : i32
    %dma_start3A_64 = tpu.memref_slice %arg3[%dma_start3A_63, %add3A_60] : memref<32x1000000xf32, #tpu.memory_space<hbm>> -> memref<32x1024xf32, #tpu.memory_space<hbm>>
    tpu.enqueue_dma source(%dma_start3A_64 : memref<32x1024xf32, #tpu.memory_space<hbm>>) target(%arg5 : memref<32x1024xf32, #tpu.memory_space<vmem>>) target_semaphore(%arg7 : memref<!tpu.dma_semaphore, #tpu.memory_space<semaphore_mem>>)
    %dma_wait3A_65 = arith.constant 0 : i32
    %dma_wait3A_66 = tpu.memref_slice %arg3[%dma_wait3A_65, %add3A_50] : memref<32x1000000xf32, #tpu.memory_space<hbm>> -> memref<32x1024xf32, #tpu.memory_space<hbm>>
    %dma_wait3A_67 = arith.constant 0 : i32
    %dma_wait3A_68 = tpu.memref_slice %arg3[%dma_wait3A_67, %add3A_50] : memref<32x1000000xf32, #tpu.memory_space<hbm>> -> memref<32x1024xf32, #tpu.memory_space<hbm>>
    tpu.wait_dma2 semaphore(%arg8 : memref<!tpu.dma_semaphore, #tpu.memory_space<semaphore_mem>>) src(%dma_wait3A_68 : memref<32x1024xf32, #tpu.memory_space<hbm>>) dst(%arg6 : memref<32x1024xf32, #tpu.memory_space<vmem>>)
    %add3A_69 = arith.constant 7168 : i32
    %add3A_70 = arith.addi %mul3A_2, %add3A_69 : i32
    %dma_start3A_71 = arith.constant 0 : i32
    %dma_start3A_72 = tpu.memref_slice %arg3[%dma_start3A_71, %add3A_70] : memref<32x1000000xf32, #tpu.memory_space<hbm>> -> memref<32x1024xf32, #tpu.memory_space<hbm>>
    %dma_start3A_73 = arith.constant 0 : i32
    %dma_start3A_74 = tpu.memref_slice %arg3[%dma_start3A_73, %add3A_70] : memref<32x1000000xf32, #tpu.memory_space<hbm>> -> memref<32x1024xf32, #tpu.memory_space<hbm>>
    tpu.enqueue_dma source(%dma_start3A_74 : memref<32x1024xf32, #tpu.memory_space<hbm>>) target(%arg6 : memref<32x1024xf32, #tpu.memory_space<vmem>>) target_semaphore(%arg8 : memref<!tpu.dma_semaphore, #tpu.memory_space<semaphore_mem>>)
    %dma_wait3A_75 = arith.constant 0 : i32
    %dma_wait3A_76 = tpu.memref_slice %arg3[%dma_wait3A_75, %add3A_60] : memref<32x1000000xf32, #tpu.memory_space<hbm>> -> memref<32x1024xf32, #tpu.memory_space<hbm>>
    %dma_wait3A_77 = arith.constant 0 : i32
    %dma_wait3A_78 = tpu.memref_slice %arg3[%dma_wait3A_77, %add3A_60] : memref<32x1000000xf32, #tpu.memory_space<hbm>> -> memref<32x1024xf32, #tpu.memory_space<hbm>>
    tpu.wait_dma2 semaphore(%arg7 : memref<!tpu.dma_semaphore, #tpu.memory_space<semaphore_mem>>) src(%dma_wait3A_78 : memref<32x1024xf32, #tpu.memory_space<hbm>>) dst(%arg5 : memref<32x1024xf32, #tpu.memory_space<vmem>>)
    %add3A_79 = arith.constant 8192 : i32
    %add3A_80 = arith.addi %mul3A_2, %add3A_79 : i32
    %dma_start3A_81 = arith.constant 0 : i32
    %dma_start3A_82 = tpu.memref_slice %arg3[%dma_start3A_81, %add3A_80] : memref<32x1000000xf32, #tpu.memory_space<hbm>> -> memref<32x1024xf32, #tpu.memory_space<hbm>>
    %dma_start3A_83 = arith.constant 0 : i32
    %dma_start3A_84 = tpu.memref_slice %arg3[%dma_start3A_83, %add3A_80] : memref<32x1000000xf32, #tpu.memory_space<hbm>> -> memref<32x1024xf32, #tpu.memory_space<hbm>>
    tpu.enqueue_dma source(%dma_start3A_84 : memref<32x1024xf32, #tpu.memory_space<hbm>>) target(%arg5 : memref<32x1024xf32, #tpu.memory_space<vmem>>) target_semaphore(%arg7 : memref<!tpu.dma_semaphore, #tpu.memory_space<semaphore_mem>>)
    %dma_wait3A_85 = arith.constant 0 : i32
    %dma_wait3A_86 = tpu.memref_slice %arg3[%dma_wait3A_85, %add3A_70] : memref<32x1000000xf32, #tpu.memory_space<hbm>> -> memref<32x1024xf32, #tpu.memory_space<hbm>>
    %dma_wait3A_87 = arith.constant 0 : i32
    %dma_wait3A_88 = tpu.memref_slice %arg3[%dma_wait3A_87, %add3A_70] : memref<32x1000000xf32, #tpu.memory_space<hbm>> -> memref<32x1024xf32, #tpu.memory_space<hbm>>
    tpu.wait_dma2 semaphore(%arg8 : memref<!tpu.dma_semaphore, #tpu.memory_space<semaphore_mem>>) src(%dma_wait3A_88 : memref<32x1024xf32, #tpu.memory_space<hbm>>) dst(%arg6 : memref<32x1024xf32, #tpu.memory_space<vmem>>)
    %add3A_89 = arith.constant 9216 : i32
    %add3A_90 = arith.addi %mul3A_2, %add3A_89 : i32
    %dma_start3A_91 = arith.constant 0 : i32
    %dma_start3A_92 = tpu.memref_slice %arg3[%dma_start3A_91, %add3A_90] : memref<32x1000000xf32, #tpu.memory_space<hbm>> -> memref<32x1024xf32, #tpu.memory_space<hbm>>
    %dma_start3A_93 = arith.constant 0 : i32
    %dma_start3A_94 = tpu.memref_slice %arg3[%dma_start3A_93, %add3A_90] : memref<32x1000000xf32, #tpu.memory_space<hbm>> -> memref<32x1024xf32, #tpu.memory_space<hbm>>
    tpu.enqueue_dma source(%dma_start3A_94 : memref<32x1024xf32, #tpu.memory_space<hbm>>) target(%arg6 : memref<32x1024xf32, #tpu.memory_space<vmem>>) target_semaphore(%arg8 : memref<!tpu.dma_semaphore, #tpu.memory_space<semaphore_mem>>)
    %dma_wait3A_95 = arith.constant 0 : i32
    %dma_wait3A_96 = tpu.memref_slice %arg3[%dma_wait3A_95, %add3A_80] : memref<32x1000000xf32, #tpu.memory_space<hbm>> -> memref<32x1024xf32, #tpu.memory_space<hbm>>
    %dma_wait3A_97 = arith.constant 0 : i32
    %dma_wait3A_98 = tpu.memref_slice %arg3[%dma_wait3A_97, %add3A_80] : memref<32x1000000xf32, #tpu.memory_space<hbm>> -> memref<32x1024xf32, #tpu.memory_space<hbm>>
    tpu.wait_dma2 semaphore(%arg7 : memref<!tpu.dma_semaphore, #tpu.memory_space<semaphore_mem>>) src(%dma_wait3A_98 : memref<32x1024xf32, #tpu.memory_space<hbm>>) dst(%arg5 : memref<32x1024xf32, #tpu.memory_space<vmem>>)
    %add3A_99 = arith.constant 10240 : i32
    %add3A_100 = arith.addi %mul3A_2, %add3A_99 : i32
    %dma_start3A_101 = arith.constant 0 : i32
    %dma_start3A_102 = tpu.memref_slice %arg3[%dma_start3A_101, %add3A_100] : memref<32x1000000xf32, #tpu.memory_space<hbm>> -> memref<32x1024xf32, #tpu.memory_space<hbm>>
    %dma_start3A_103 = arith.constant 0 : i32
    %dma_start3A_104 = tpu.memref_slice %arg3[%dma_start3A_103, %add3A_100] : memref<32x1000000xf32, #tpu.memory_space<hbm>> -> memref<32x1024xf32, #tpu.memory_space<hbm>>
    tpu.enqueue_dma source(%dma_start3A_104 : memref<32x1024xf32, #tpu.memory_space<hbm>>) target(%arg5 : memref<32x1024xf32, #tpu.memory_space<vmem>>) target_semaphore(%arg7 : memref<!tpu.dma_semaphore, #tpu.memory_space<semaphore_mem>>)
    %dma_wait3A_105 = arith.constant 0 : i32
    %dma_wait3A_106 = tpu.memref_slice %arg3[%dma_wait3A_105, %add3A_90] : memref<32x1000000xf32, #tpu.memory_space<hbm>> -> memref<32x1024xf32, #tpu.memory_space<hbm>>
    %dma_wait3A_107 = arith.constant 0 : i32
    %dma_wait3A_108 = tpu.memref_slice %arg3[%dma_wait3A_107, %add3A_90] : memref<32x1000000xf32, #tpu.memory_space<hbm>> -> memref<32x1024xf32, #tpu.memory_space<hbm>>
    tpu.wait_dma2 semaphore(%arg8 : memref<!tpu.dma_semaphore, #tpu.memory_space<semaphore_mem>>) src(%dma_wait3A_108 : memref<32x1024xf32, #tpu.memory_space<hbm>>) dst(%arg6 : memref<32x1024xf32, #tpu.memory_space<vmem>>)
    %add3A_109 = arith.constant 11264 : i32
    %add3A_110 = arith.addi %mul3A_2, %add3A_109 : i32
    %dma_start3A_111 = arith.constant 0 : i32
    %dma_start3A_112 = tpu.memref_slice %arg3[%dma_start3A_111, %add3A_110] : memref<32x1000000xf32, #tpu.memory_space<hbm>> -> memref<32x1024xf32, #tpu.memory_space<hbm>>
    %dma_start3A_113 = arith.constant 0 : i32
    %dma_start3A_114 = tpu.memref_slice %arg3[%dma_start3A_113, %add3A_110] : memref<32x1000000xf32, #tpu.memory_space<hbm>> -> memref<32x1024xf32, #tpu.memory_space<hbm>>
    tpu.enqueue_dma source(%dma_start3A_114 : memref<32x1024xf32, #tpu.memory_space<hbm>>) target(%arg6 : memref<32x1024xf32, #tpu.memory_space<vmem>>) target_semaphore(%arg8 : memref<!tpu.dma_semaphore, #tpu.memory_space<semaphore_mem>>)
    %dma_wait3A_115 = arith.constant 0 : i32
    %dma_wait3A_116 = tpu.memref_slice %arg3[%dma_wait3A_115, %add3A_100] : memref<32x1000000xf32, #tpu.memory_space<hbm>> -> memref<32x1024xf32, #tpu.memory_space<hbm>>
    %dma_wait3A_117 = arith.constant 0 : i32
    %dma_wait3A_118 = tpu.memref_slice %arg3[%dma_wait3A_117, %add3A_100] : memref<32x1000000xf32, #tpu.memory_space<hbm>> -> memref<32x1024xf32, #tpu.memory_space<hbm>>
    tpu.wait_dma2 semaphore(%arg7 : memref<!tpu.dma_semaphore, #tpu.memory_space<semaphore_mem>>) src(%dma_wait3A_118 : memref<32x1024xf32, #tpu.memory_space<hbm>>) dst(%arg5 : memref<32x1024xf32, #tpu.memory_space<vmem>>)
    %add3A_119 = arith.constant 12288 : i32
    %add3A_120 = arith.addi %mul3A_2, %add3A_119 : i32
    %dma_start3A_121 = arith.constant 0 : i32
    %dma_start3A_122 = tpu.memref_slice %arg3[%dma_start3A_121, %add3A_120] : memref<32x1000000xf32, #tpu.memory_space<hbm>> -> memref<32x1024xf32, #tpu.memory_space<hbm>>
    %dma_start3A_123 = arith.constant 0 : i32
    %dma_start3A_124 = tpu.memref_slice %arg3[%dma_start3A_123, %add3A_120] : memref<32x1000000xf32, #tpu.memory_space<hbm>> -> memref<32x1024xf32, #tpu.memory_space<hbm>>
    tpu.enqueue_dma source(%dma_start3A_124 : memref<32x1024xf32, #tpu.memory_space<hbm>>) target(%arg5 : memref<32x1024xf32, #tpu.memory_space<vmem>>) target_semaphore(%arg7 : memref<!tpu.dma_semaphore, #tpu.memory_space<semaphore_mem>>)
    %dma_wait3A_125 = arith.constant 0 : i32
    %dma_wait3A_126 = tpu.memref_slice %arg3[%dma_wait3A_125, %add3A_110] : memref<32x1000000xf32, #tpu.memory_space<hbm>> -> memref<32x1024xf32, #tpu.memory_space<hbm>>
    %dma_wait3A_127 = arith.constant 0 : i32
    %dma_wait3A_128 = tpu.memref_slice %arg3[%dma_wait3A_127, %add3A_110] : memref<32x1000000xf32, #tpu.memory_space<hbm>> -> memref<32x1024xf32, #tpu.memory_space<hbm>>
    tpu.wait_dma2 semaphore(%arg8 : memref<!tpu.dma_semaphore, #tpu.memory_space<semaphore_mem>>) src(%dma_wait3A_128 : memref<32x1024xf32, #tpu.memory_space<hbm>>) dst(%arg6 : memref<32x1024xf32, #tpu.memory_space<vmem>>)
    %add3A_129 = arith.constant 13312 : i32
    %add3A_130 = arith.addi %mul3A_2, %add3A_129 : i32
    %dma_start3A_131 = arith.constant 0 : i32
    %dma_start3A_132 = tpu.memref_slice %arg3[%dma_start3A_131, %add3A_130] : memref<32x1000000xf32, #tpu.memory_space<hbm>> -> memref<32x1024xf32, #tpu.memory_space<hbm>>
    %dma_start3A_133 = arith.constant 0 : i32
    %dma_start3A_134 = tpu.memref_slice %arg3[%dma_start3A_133, %add3A_130] : memref<32x1000000xf32, #tpu.memory_space<hbm>> -> memref<32x1024xf32, #tpu.memory_space<hbm>>
    tpu.enqueue_dma source(%dma_start3A_134 : memref<32x1024xf32, #tpu.memory_space<hbm>>) target(%arg6 : memref<32x1024xf32, #tpu.memory_space<vmem>>) target_semaphore(%arg8 : memref<!tpu.dma_semaphore, #tpu.memory_space<semaphore_mem>>)
    %dma_wait3A_135 = arith.constant 0 : i32
    %dma_wait3A_136 = tpu.memref_slice %arg3[%dma_wait3A_135, %add3A_120] : memref<32x1000000xf32, #tpu.memory_space<hbm>> -> memref<32x1024xf32, #tpu.memory_space<hbm>>
    %dma_wait3A_137 = arith.constant 0 : i32
    %dma_wait3A_138 = tpu.memref_slice %arg3[%dma_wait3A_137, %add3A_120] : memref<32x1000000xf32, #tpu.memory_space<hbm>> -> memref<32x1024xf32, #tpu.memory_space<hbm>>
    tpu.wait_dma2 semaphore(%arg7 : memref<!tpu.dma_semaphore, #tpu.memory_space<semaphore_mem>>) src(%dma_wait3A_138 : memref<32x1024xf32, #tpu.memory_space<hbm>>) dst(%arg5 : memref<32x1024xf32, #tpu.memory_space<vmem>>)
    %add3A_139 = arith.constant 14336 : i32
    %add3A_140 = arith.addi %mul3A_2, %add3A_139 : i32
    %dma_start3A_141 = arith.constant 0 : i32
    %dma_start3A_142 = tpu.memref_slice %arg3[%dma_start3A_141, %add3A_140] : memref<32x1000000xf32, #tpu.memory_space<hbm>> -> memref<32x1024xf32, #tpu.memory_space<hbm>>
    %dma_start3A_143 = arith.constant 0 : i32
    %dma_start3A_144 = tpu.memref_slice %arg3[%dma_start3A_143, %add3A_140] : memref<32x1000000xf32, #tpu.memory_space<hbm>> -> memref<32x1024xf32, #tpu.memory_space<hbm>>
    tpu.enqueue_dma source(%dma_start3A_144 : memref<32x1024xf32, #tpu.memory_space<hbm>>) target(%arg5 : memref<32x1024xf32, #tpu.memory_space<vmem>>) target_semaphore(%arg7 : memref<!tpu.dma_semaphore, #tpu.memory_space<semaphore_mem>>)
    %dma_wait3A_145 = arith.constant 0 : i32
    %dma_wait3A_146 = tpu.memref_slice %arg3[%dma_wait3A_145, %add3A_130] : memref<32x1000000xf32, #tpu.memory_space<hbm>> -> memref<32x1024xf32, #tpu.memory_space<hbm>>
    %dma_wait3A_147 = arith.constant 0 : i32
    %dma_wait3A_148 = tpu.memref_slice %arg3[%dma_wait3A_147, %add3A_130] : memref<32x1000000xf32, #tpu.memory_space<hbm>> -> memref<32x1024xf32, #tpu.memory_space<hbm>>
    tpu.wait_dma2 semaphore(%arg8 : memref<!tpu.dma_semaphore, #tpu.memory_space<semaphore_mem>>) src(%dma_wait3A_148 : memref<32x1024xf32, #tpu.memory_space<hbm>>) dst(%arg6 : memref<32x1024xf32, #tpu.memory_space<vmem>>)
    %add3A_149 = arith.constant 15360 : i32
    %add3A_150 = arith.addi %mul3A_2, %add3A_149 : i32
    %dma_start3A_151 = arith.constant 0 : i32
    %dma_start3A_152 = tpu.memref_slice %arg3[%dma_start3A_151, %add3A_150] : memref<32x1000000xf32, #tpu.memory_space<hbm>> -> memref<32x1024xf32, #tpu.memory_space<hbm>>
    %dma_start3A_153 = arith.constant 0 : i32
    %dma_start3A_154 = tpu.memref_slice %arg3[%dma_start3A_153, %add3A_150] : memref<32x1000000xf32, #tpu.memory_space<hbm>> -> memref<32x1024xf32, #tpu.memory_space<hbm>>
    tpu.enqueue_dma source(%dma_start3A_154 : memref<32x1024xf32, #tpu.memory_space<hbm>>) target(%arg6 : memref<32x1024xf32, #tpu.memory_space<vmem>>) target_semaphore(%arg8 : memref<!tpu.dma_semaphore, #tpu.memory_space<semaphore_mem>>)
    %dma_wait3A_155 = arith.constant 0 : i32
    %dma_wait3A_156 = tpu.memref_slice %arg3[%dma_wait3A_155, %add3A_140] : memref<32x1000000xf32, #tpu.memory_space<hbm>> -> memref<32x1024xf32, #tpu.memory_space<hbm>>
    %dma_wait3A_157 = arith.constant 0 : i32
    %dma_wait3A_158 = tpu.memref_slice %arg3[%dma_wait3A_157, %add3A_140] : memref<32x1000000xf32, #tpu.memory_space<hbm>> -> memref<32x1024xf32, #tpu.memory_space<hbm>>
    tpu.wait_dma2 semaphore(%arg7 : memref<!tpu.dma_semaphore, #tpu.memory_space<semaphore_mem>>) src(%dma_wait3A_158 : memref<32x1024xf32, #tpu.memory_space<hbm>>) dst(%arg5 : memref<32x1024xf32, #tpu.memory_space<vmem>>)
    %add3A_159 = arith.constant 16384 : i32
    %add3A_160 = arith.addi %mul3A_2, %add3A_159 : i32
    %dma_start3A_161 = arith.constant 0 : i32
    %dma_start3A_162 = tpu.memref_slice %arg3[%dma_start3A_161, %add3A_160] : memref<32x1000000xf32, #tpu.memory_space<hbm>> -> memref<32x1024xf32, #tpu.memory_space<hbm>>
    %dma_start3A_163 = arith.constant 0 : i32
    %dma_start3A_164 = tpu.memref_slice %arg3[%dma_start3A_163, %add3A_160] : memref<32x1000000xf32, #tpu.memory_space<hbm>> -> memref<32x1024xf32, #tpu.memory_space<hbm>>
    tpu.enqueue_dma source(%dma_start3A_164 : memref<32x1024xf32, #tpu.memory_space<hbm>>) target(%arg5 : memref<32x1024xf32, #tpu.memory_space<vmem>>) target_semaphore(%arg7 : memref<!tpu.dma_semaphore, #tpu.memory_space<semaphore_mem>>)
    %dma_wait3A_165 = arith.constant 0 : i32
    %dma_wait3A_166 = tpu.memref_slice %arg3[%dma_wait3A_165, %add3A_150] : memref<32x1000000xf32, #tpu.memory_space<hbm>> -> memref<32x1024xf32, #tpu.memory_space<hbm>>
    %dma_wait3A_167 = arith.constant 0 : i32
    %dma_wait3A_168 = tpu.memref_slice %arg3[%dma_wait3A_167, %add3A_150] : memref<32x1000000xf32, #tpu.memory_space<hbm>> -> memref<32x1024xf32, #tpu.memory_space<hbm>>
    tpu.wait_dma2 semaphore(%arg8 : memref<!tpu.dma_semaphore, #tpu.memory_space<semaphore_mem>>) src(%dma_wait3A_168 : memref<32x1024xf32, #tpu.memory_space<hbm>>) dst(%arg6 : memref<32x1024xf32, #tpu.memory_space<vmem>>)
    %add3A_169 = arith.constant 17408 : i32
    %add3A_170 = arith.addi %mul3A_2, %add3A_169 : i32
    %dma_start3A_171 = arith.constant 0 : i32
    %dma_start3A_172 = tpu.memref_slice %arg3[%dma_start3A_171, %add3A_170] : memref<32x1000000xf32, #tpu.memory_space<hbm>> -> memref<32x1024xf32, #tpu.memory_space<hbm>>
    %dma_start3A_173 = arith.constant 0 : i32
    %dma_start3A_174 = tpu.memref_slice %arg3[%dma_start3A_173, %add3A_170] : memref<32x1000000xf32, #tpu.memory_space<hbm>> -> memref<32x1024xf32, #tpu.memory_space<hbm>>
    tpu.enqueue_dma source(%dma_start3A_174 : memref<32x1024xf32, #tpu.memory_space<hbm>>) target(%arg6 : memref<32x1024xf32, #tpu.memory_space<vmem>>) target_semaphore(%arg8 : memref<!tpu.dma_semaphore, #tpu.memory_space<semaphore_mem>>)
    %dma_wait3A_175 = arith.constant 0 : i32
    %dma_wait3A_176 = tpu.memref_slice %arg3[%dma_wait3A_175, %add3A_160] : memref<32x1000000xf32, #tpu.memory_space<hbm>> -> memref<32x1024xf32, #tpu.memory_space<hbm>>
    %dma_wait3A_177 = arith.constant 0 : i32
    %dma_wait3A_178 = tpu.memref_slice %arg3[%dma_wait3A_177, %add3A_160] : memref<32x1000000xf32, #tpu.memory_space<hbm>> -> memref<32x1024xf32, #tpu.memory_space<hbm>>
    tpu.wait_dma2 semaphore(%arg7 : memref<!tpu.dma_semaphore, #tpu.memory_space<semaphore_mem>>) src(%dma_wait3A_178 : memref<32x1024xf32, #tpu.memory_space<hbm>>) dst(%arg5 : memref<32x1024xf32, #tpu.memory_space<vmem>>)
    %add3A_179 = arith.constant 18432 : i32
    %add3A_180 = arith.addi %mul3A_2, %add3A_179 : i32
    %dma_start3A_181 = arith.constant 0 : i32
    %dma_start3A_182 = tpu.memref_slice %arg3[%dma_start3A_181, %add3A_180] : memref<32x1000000xf32, #tpu.memory_space<hbm>> -> memref<32x1024xf32, #tpu.memory_space<hbm>>
    %dma_start3A_183 = arith.constant 0 : i32
    %dma_start3A_184 = tpu.memref_slice %arg3[%dma_start3A_183, %add3A_180] : memref<32x1000000xf32, #tpu.memory_space<hbm>> -> memref<32x1024xf32, #tpu.memory_space<hbm>>
    tpu.enqueue_dma source(%dma_start3A_184 : memref<32x1024xf32, #tpu.memory_space<hbm>>) target(%arg5 : memref<32x1024xf32, #tpu.memory_space<vmem>>) target_semaphore(%arg7 : memref<!tpu.dma_semaphore, #tpu.memory_space<semaphore_mem>>)
    %dma_wait3A_185 = arith.constant 0 : i32
    %dma_wait3A_186 = tpu.memref_slice %arg3[%dma_wait3A_185, %add3A_170] : memref<32x1000000xf32, #tpu.memory_space<hbm>> -> memref<32x1024xf32, #tpu.memory_space<hbm>>
    %dma_wait3A_187 = arith.constant 0 : i32
    %dma_wait3A_188 = tpu.memref_slice %arg3[%dma_wait3A_187, %add3A_170] : memref<32x1000000xf32, #tpu.memory_space<hbm>> -> memref<32x1024xf32, #tpu.memory_space<hbm>>
    tpu.wait_dma2 semaphore(%arg8 : memref<!tpu.dma_semaphore, #tpu.memory_space<semaphore_mem>>) src(%dma_wait3A_188 : memref<32x1024xf32, #tpu.memory_space<hbm>>) dst(%arg6 : memref<32x1024xf32, #tpu.memory_space<vmem>>)
    %add3A_189 = arith.constant 19456 : i32
    %add3A_190 = arith.addi %mul3A_2, %add3A_189 : i32
    %dma_start3A_191 = arith.constant 0 : i32
    %dma_start3A_192 = tpu.memref_slice %arg3[%dma_start3A_191, %add3A_190] : memref<32x1000000xf32, #tpu.memory_space<hbm>> -> memref<32x1024xf32, #tpu.memory_space<hbm>>
    %dma_start3A_193 = arith.constant 0 : i32
    %dma_start3A_194 = tpu.memref_slice %arg3[%dma_start3A_193, %add3A_190] : memref<32x1000000xf32, #tpu.memory_space<hbm>> -> memref<32x1024xf32, #tpu.memory_space<hbm>>
    tpu.enqueue_dma source(%dma_start3A_194 : memref<32x1024xf32, #tpu.memory_space<hbm>>) target(%arg6 : memref<32x1024xf32, #tpu.memory_space<vmem>>) target_semaphore(%arg8 : memref<!tpu.dma_semaphore, #tpu.memory_space<semaphore_mem>>)
    %dma_wait3A_195 = arith.constant 0 : i32
    %dma_wait3A_196 = tpu.memref_slice %arg3[%dma_wait3A_195, %add3A_180] : memref<32x1000000xf32, #tpu.memory_space<hbm>> -> memref<32x1024xf32, #tpu.memory_space<hbm>>
    %dma_wait3A_197 = arith.constant 0 : i32
    %dma_wait3A_198 = tpu.memref_slice %arg3[%dma_wait3A_197, %add3A_180] : memref<32x1000000xf32, #tpu.memory_space<hbm>> -> memref<32x1024xf32, #tpu.memory_space<hbm>>
    tpu.wait_dma2 semaphore(%arg7 : memref<!tpu.dma_semaphore, #tpu.memory_space<semaphore_mem>>) src(%dma_wait3A_198 : memref<32x1024xf32, #tpu.memory_space<hbm>>) dst(%arg5 : memref<32x1024xf32, #tpu.memory_space<vmem>>)
    %add3A_199 = arith.constant 20480 : i32
    %add3A_200 = arith.addi %mul3A_2, %add3A_199 : i32
    %dma_start3A_201 = arith.constant 0 : i32
    %dma_start3A_202 = tpu.memref_slice %arg3[%dma_start3A_201, %add3A_200] : memref<32x1000000xf32, #tpu.memory_space<hbm>> -> memref<32x1024xf32, #tpu.memory_space<hbm>>
    %dma_start3A_203 = arith.constant 0 : i32
    %dma_start3A_204 = tpu.memref_slice %arg3[%dma_start3A_203, %add3A_200] : memref<32x1000000xf32, #tpu.memory_space<hbm>> -> memref<32x1024xf32, #tpu.memory_space<hbm>>
    tpu.enqueue_dma source(%dma_start3A_204 : memref<32x1024xf32, #tpu.memory_space<hbm>>) target(%arg5 : memref<32x1024xf32, #tpu.memory_space<vmem>>) target_semaphore(%arg7 : memref<!tpu.dma_semaphore, #tpu.memory_space<semaphore_mem>>)
    %dma_wait3A_205 = arith.constant 0 : i32
    %dma_wait3A_206 = tpu.memref_slice %arg3[%dma_wait3A_205, %add3A_190] : memref<32x1000000xf32, #tpu.memory_space<hbm>> -> memref<32x1024xf32, #tpu.memory_space<hbm>>
    %dma_wait3A_207 = arith.constant 0 : i32
    %dma_wait3A_208 = tpu.memref_slice %arg3[%dma_wait3A_207, %add3A_190] : memref<32x1000000xf32, #tpu.memory_space<hbm>> -> memref<32x1024xf32, #tpu.memory_space<hbm>>
    tpu.wait_dma2 semaphore(%arg8 : memref<!tpu.dma_semaphore, #tpu.memory_space<semaphore_mem>>) src(%dma_wait3A_208 : memref<32x1024xf32, #tpu.memory_space<hbm>>) dst(%arg6 : memref<32x1024xf32, #tpu.memory_space<vmem>>)
    %add3A_209 = arith.constant 21504 : i32
    %add3A_210 = arith.addi %mul3A_2, %add3A_209 : i32
    %dma_start3A_211 = arith.constant 0 : i32
    %dma_start3A_212 = tpu.memref_slice %arg3[%dma_start3A_211, %add3A_210] : memref<32x1000000xf32, #tpu.memory_space<hbm>> -> memref<32x1024xf32, #tpu.memory_space<hbm>>
    %dma_start3A_213 = arith.constant 0 : i32
    %dma_start3A_214 = tpu.memref_slice %arg3[%dma_start3A_213, %add3A_210] : memref<32x1000000xf32, #tpu.memory_space<hbm>> -> memref<32x1024xf32, #tpu.memory_space<hbm>>
    tpu.enqueue_dma source(%dma_start3A_214 : memref<32x1024xf32, #tpu.memory_space<hbm>>) target(%arg6 : memref<32x1024xf32, #tpu.memory_space<vmem>>) target_semaphore(%arg8 : memref<!tpu.dma_semaphore, #tpu.memory_space<semaphore_mem>>)
    %dma_wait3A_215 = arith.constant 0 : i32
    %dma_wait3A_216 = tpu.memref_slice %arg3[%dma_wait3A_215, %add3A_200] : memref<32x1000000xf32, #tpu.memory_space<hbm>> -> memref<32x1024xf32, #tpu.memory_space<hbm>>
    %dma_wait3A_217 = arith.constant 0 : i32
    %dma_wait3A_218 = tpu.memref_slice %arg3[%dma_wait3A_217, %add3A_200] : memref<32x1000000xf32, #tpu.memory_space<hbm>> -> memref<32x1024xf32, #tpu.memory_space<hbm>>
    tpu.wait_dma2 semaphore(%arg7 : memref<!tpu.dma_semaphore, #tpu.memory_space<semaphore_mem>>) src(%dma_wait3A_218 : memref<32x1024xf32, #tpu.memory_space<hbm>>) dst(%arg5 : memref<32x1024xf32, #tpu.memory_space<vmem>>)
    %add3A_219 = arith.constant 22528 : i32
    %add3A_220 = arith.addi %mul3A_2, %add3A_219 : i32
    %dma_start3A_221 = arith.constant 0 : i32
    %dma_start3A_222 = tpu.memref_slice %arg3[%dma_start3A_221, %add3A_220] : memref<32x1000000xf32, #tpu.memory_space<hbm>> -> memref<32x1024xf32, #tpu.memory_space<hbm>>
    %dma_start3A_223 = arith.constant 0 : i32
    %dma_start3A_224 = tpu.memref_slice %arg3[%dma_start3A_223, %add3A_220] : memref<32x1000000xf32, #tpu.memory_space<hbm>> -> memref<32x1024xf32, #tpu.memory_space<hbm>>
    tpu.enqueue_dma source(%dma_start3A_224 : memref<32x1024xf32, #tpu.memory_space<hbm>>) target(%arg5 : memref<32x1024xf32, #tpu.memory_space<vmem>>) target_semaphore(%arg7 : memref<!tpu.dma_semaphore, #tpu.memory_space<semaphore_mem>>)
    %dma_wait3A_225 = arith.constant 0 : i32
    %dma_wait3A_226 = tpu.memref_slice %arg3[%dma_wait3A_225, %add3A_210] : memref<32x1000000xf32, #tpu.memory_space<hbm>> -> memref<32x1024xf32, #tpu.memory_space<hbm>>
    %dma_wait3A_227 = arith.constant 0 : i32
    %dma_wait3A_228 = tpu.memref_slice %arg3[%dma_wait3A_227, %add3A_210] : memref<32x1000000xf32, #tpu.memory_space<hbm>> -> memref<32x1024xf32, #tpu.memory_space<hbm>>
    tpu.wait_dma2 semaphore(%arg8 : memref<!tpu.dma_semaphore, #tpu.memory_space<semaphore_mem>>) src(%dma_wait3A_228 : memref<32x1024xf32, #tpu.memory_space<hbm>>) dst(%arg6 : memref<32x1024xf32, #tpu.memory_space<vmem>>)
    %add3A_229 = arith.constant 23552 : i32
    %add3A_230 = arith.addi %mul3A_2, %add3A_229 : i32
    %dma_start3A_231 = arith.constant 0 : i32
    %dma_start3A_232 = tpu.memref_slice %arg3[%dma_start3A_231, %add3A_230] : memref<32x1000000xf32, #tpu.memory_space<hbm>> -> memref<32x1024xf32, #tpu.memory_space<hbm>>
    %dma_start3A_233 = arith.constant 0 : i32
    %dma_start3A_234 = tpu.memref_slice %arg3[%dma_start3A_233, %add3A_230] : memref<32x1000000xf32, #tpu.memory_space<hbm>> -> memref<32x1024xf32, #tpu.memory_space<hbm>>
    tpu.enqueue_dma source(%dma_start3A_234 : memref<32x1024xf32, #tpu.memory_space<hbm>>) target(%arg6 : memref<32x1024xf32, #tpu.memory_space<vmem>>) target_semaphore(%arg8 : memref<!tpu.dma_semaphore, #tpu.memory_space<semaphore_mem>>)
    %dma_wait3A_235 = arith.constant 0 : i32
    %dma_wait3A_236 = tpu.memref_slice %arg3[%dma_wait3A_235, %add3A_220] : memref<32x1000000xf32, #tpu.memory_space<hbm>> -> memref<32x1024xf32, #tpu.memory_space<hbm>>
    %dma_wait3A_237 = arith.constant 0 : i32
    %dma_wait3A_238 = tpu.memref_slice %arg3[%dma_wait3A_237, %add3A_220] : memref<32x1000000xf32, #tpu.memory_space<hbm>> -> memref<32x1024xf32, #tpu.memory_space<hbm>>
    tpu.wait_dma2 semaphore(%arg7 : memref<!tpu.dma_semaphore, #tpu.memory_space<semaphore_mem>>) src(%dma_wait3A_238 : memref<32x1024xf32, #tpu.memory_space<hbm>>) dst(%arg5 : memref<32x1024xf32, #tpu.memory_space<vmem>>)
    %add3A_239 = arith.constant 24576 : i32
    %add3A_240 = arith.addi %mul3A_2, %add3A_239 : i32
    %dma_start3A_241 = arith.constant 0 : i32
    %dma_start3A_242 = tpu.memref_slice %arg3[%dma_start3A_241, %add3A_240] : memref<32x1000000xf32, #tpu.memory_space<hbm>> -> memref<32x1024xf32, #tpu.memory_space<hbm>>
    %dma_start3A_243 = arith.constant 0 : i32
    %dma_start3A_244 = tpu.memref_slice %arg3[%dma_start3A_243, %add3A_240] : memref<32x1000000xf32, #tpu.memory_space<hbm>> -> memref<32x1024xf32, #tpu.memory_space<hbm>>
    tpu.enqueue_dma source(%dma_start3A_244 : memref<32x1024xf32, #tpu.memory_space<hbm>>) target(%arg5 : memref<32x1024xf32, #tpu.memory_space<vmem>>) target_semaphore(%arg7 : memref<!tpu.dma_semaphore, #tpu.memory_space<semaphore_mem>>)
    %dma_wait3A_245 = arith.constant 0 : i32
    %dma_wait3A_246 = tpu.memref_slice %arg3[%dma_wait3A_245, %add3A_230] : memref<32x1000000xf32, #tpu.memory_space<hbm>> -> memref<32x1024xf32, #tpu.memory_space<hbm>>
    %dma_wait3A_247 = arith.constant 0 : i32
    %dma_wait3A_248 = tpu.memref_slice %arg3[%dma_wait3A_247, %add3A_230] : memref<32x1000000xf32, #tpu.memory_space<hbm>> -> memref<32x1024xf32, #tpu.memory_space<hbm>>
    tpu.wait_dma2 semaphore(%arg8 : memref<!tpu.dma_semaphore, #tpu.memory_space<semaphore_mem>>) src(%dma_wait3A_248 : memref<32x1024xf32, #tpu.memory_space<hbm>>) dst(%arg6 : memref<32x1024xf32, #tpu.memory_space<vmem>>)
    %add3A_249 = arith.constant 25600 : i32
    %add3A_250 = arith.addi %mul3A_2, %add3A_249 : i32
    %dma_start3A_251 = arith.constant 0 : i32
    %dma_start3A_252 = tpu.memref_slice %arg3[%dma_start3A_251, %add3A_250] : memref<32x1000000xf32, #tpu.memory_space<hbm>> -> memref<32x1024xf32, #tpu.memory_space<hbm>>
    %dma_start3A_253 = arith.constant 0 : i32
    %dma_start3A_254 = tpu.memref_slice %arg3[%dma_start3A_253, %add3A_250] : memref<32x1000000xf32, #tpu.memory_space<hbm>> -> memref<32x1024xf32, #tpu.memory_space<hbm>>
    tpu.enqueue_dma source(%dma_start3A_254 : memref<32x1024xf32, #tpu.memory_space<hbm>>) target(%arg6 : memref<32x1024xf32, #tpu.memory_space<vmem>>) target_semaphore(%arg8 : memref<!tpu.dma_semaphore, #tpu.memory_space<semaphore_mem>>)
    %dma_wait3A_255 = arith.constant 0 : i32
    %dma_wait3A_256 = tpu.memref_slice %arg3[%dma_wait3A_255, %add3A_240] : memref<32x1000000xf32, #tpu.memory_space<hbm>> -> memref<32x1024xf32, #tpu.memory_space<hbm>>
    %dma_wait3A_257 = arith.constant 0 : i32
    %dma_wait3A_258 = tpu.memref_slice %arg3[%dma_wait3A_257, %add3A_240] : memref<32x1000000xf32, #tpu.memory_space<hbm>> -> memref<32x1024xf32, #tpu.memory_space<hbm>>
    tpu.wait_dma2 semaphore(%arg7 : memref<!tpu.dma_semaphore, #tpu.memory_space<semaphore_mem>>) src(%dma_wait3A_258 : memref<32x1024xf32, #tpu.memory_space<hbm>>) dst(%arg5 : memref<32x1024xf32, #tpu.memory_space<vmem>>)
    %add3A_259 = arith.constant 26624 : i32
    %add3A_260 = arith.addi %mul3A_2, %add3A_259 : i32
    %dma_start3A_261 = arith.constant 0 : i32
    %dma_start3A_262 = tpu.memref_slice %arg3[%dma_start3A_261, %add3A_260] : memref<32x1000000xf32, #tpu.memory_space<hbm>> -> memref<32x1024xf32, #tpu.memory_space<hbm>>
    %dma_start3A_263 = arith.constant 0 : i32
    %dma_start3A_264 = tpu.memref_slice %arg3[%dma_start3A_263, %add3A_260] : memref<32x1000000xf32, #tpu.memory_space<hbm>> -> memref<32x1024xf32, #tpu.memory_space<hbm>>
    tpu.enqueue_dma source(%dma_start3A_264 : memref<32x1024xf32, #tpu.memory_space<hbm>>) target(%arg5 : memref<32x1024xf32, #tpu.memory_space<vmem>>) target_semaphore(%arg7 : memref<!tpu.dma_semaphore, #tpu.memory_space<semaphore_mem>>)
    %dma_wait3A_265 = arith.constant 0 : i32
    %dma_wait3A_266 = tpu.memref_slice %arg3[%dma_wait3A_265, %add3A_250] : memref<32x1000000xf32, #tpu.memory_space<hbm>> -> memref<32x1024xf32, #tpu.memory_space<hbm>>
    %dma_wait3A_267 = arith.constant 0 : i32
    %dma_wait3A_268 = tpu.memref_slice %arg3[%dma_wait3A_267, %add3A_250] : memref<32x1000000xf32, #tpu.memory_space<hbm>> -> memref<32x1024xf32, #tpu.memory_space<hbm>>
    tpu.wait_dma2 semaphore(%arg8 : memref<!tpu.dma_semaphore, #tpu.memory_space<semaphore_mem>>) src(%dma_wait3A_268 : memref<32x1024xf32, #tpu.memory_space<hbm>>) dst(%arg6 : memref<32x1024xf32, #tpu.memory_space<vmem>>)
    %add3A_269 = arith.constant 27648 : i32
    %add3A_270 = arith.addi %mul3A_2, %add3A_269 : i32
    %dma_start3A_271 = arith.constant 0 : i32
    %dma_start3A_272 = tpu.memref_slice %arg3[%dma_start3A_271, %add3A_270] : memref<32x1000000xf32, #tpu.memory_space<hbm>> -> memref<32x1024xf32, #tpu.memory_space<hbm>>
    %dma_start3A_273 = arith.constant 0 : i32
    %dma_start3A_274 = tpu.memref_slice %arg3[%dma_start3A_273, %add3A_270] : memref<32x1000000xf32, #tpu.memory_space<hbm>> -> memref<32x1024xf32, #tpu.memory_space<hbm>>
    tpu.enqueue_dma source(%dma_start3A_274 : memref<32x1024xf32, #tpu.memory_space<hbm>>) target(%arg6 : memref<32x1024xf32, #tpu.memory_space<vmem>>) target_semaphore(%arg8 : memref<!tpu.dma_semaphore, #tpu.memory_space<semaphore_mem>>)
    %dma_wait3A_275 = arith.constant 0 : i32
    %dma_wait3A_276 = tpu.memref_slice %arg3[%dma_wait3A_275, %add3A_260] : memref<32x1000000xf32, #tpu.memory_space<hbm>> -> memref<32x1024xf32, #tpu.memory_space<hbm>>
    %dma_wait3A_277 = arith.constant 0 : i32
    %dma_wait3A_278 = tpu.memref_slice %arg3[%dma_wait3A_277, %add3A_260] : memref<32x1000000xf32, #tpu.memory_space<hbm>> -> memref<32x1024xf32, #tpu.memory_space<hbm>>
    tpu.wait_dma2 semaphore(%arg7 : memref<!tpu.dma_semaphore, #tpu.memory_space<semaphore_mem>>) src(%dma_wait3A_278 : memref<32x1024xf32, #tpu.memory_space<hbm>>) dst(%arg5 : memref<32x1024xf32, #tpu.memory_space<vmem>>)
    %add3A_279 = arith.constant 28672 : i32
    %add3A_280 = arith.addi %mul3A_2, %add3A_279 : i32
    %dma_start3A_281 = arith.constant 0 : i32
    %dma_start3A_282 = tpu.memref_slice %arg3[%dma_start3A_281, %add3A_280] : memref<32x1000000xf32, #tpu.memory_space<hbm>> -> memref<32x1024xf32, #tpu.memory_space<hbm>>
    %dma_start3A_283 = arith.constant 0 : i32
    %dma_start3A_284 = tpu.memref_slice %arg3[%dma_start3A_283, %add3A_280] : memref<32x1000000xf32, #tpu.memory_space<hbm>> -> memref<32x1024xf32, #tpu.memory_space<hbm>>
    tpu.enqueue_dma source(%dma_start3A_284 : memref<32x1024xf32, #tpu.memory_space<hbm>>) target(%arg5 : memref<32x1024xf32, #tpu.memory_space<vmem>>) target_semaphore(%arg7 : memref<!tpu.dma_semaphore, #tpu.memory_space<semaphore_mem>>)
    %dma_wait3A_285 = arith.constant 0 : i32
    %dma_wait3A_286 = tpu.memref_slice %arg3[%dma_wait3A_285, %add3A_270] : memref<32x1000000xf32, #tpu.memory_space<hbm>> -> memref<32x1024xf32, #tpu.memory_space<hbm>>
    %dma_wait3A_287 = arith.constant 0 : i32
    %dma_wait3A_288 = tpu.memref_slice %arg3[%dma_wait3A_287, %add3A_270] : memref<32x1000000xf32, #tpu.memory_space<hbm>> -> memref<32x1024xf32, #tpu.memory_space<hbm>>
    tpu.wait_dma2 semaphore(%arg8 : memref<!tpu.dma_semaphore, #tpu.memory_space<semaphore_mem>>) src(%dma_wait3A_288 : memref<32x1024xf32, #tpu.memory_space<hbm>>) dst(%arg6 : memref<32x1024xf32, #tpu.memory_space<vmem>>)
    %add3A_289 = arith.constant 29696 : i32
    %add3A_290 = arith.addi %mul3A_2, %add3A_289 : i32
    %dma_start3A_291 = arith.constant 0 : i32
    %dma_start3A_292 = tpu.memref_slice %arg3[%dma_start3A_291, %add3A_290] : memref<32x1000000xf32, #tpu.memory_space<hbm>> -> memref<32x1024xf32, #tpu.memory_space<hbm>>
    %dma_start3A_293 = arith.constant 0 : i32
    %dma_start3A_294 = tpu.memref_slice %arg3[%dma_start3A_293, %add3A_290] : memref<32x1000000xf32, #tpu.memory_space<hbm>> -> memref<32x1024xf32, #tpu.memory_space<hbm>>
    tpu.enqueue_dma source(%dma_start3A_294 : memref<32x1024xf32, #tpu.memory_space<hbm>>) target(%arg6 : memref<32x1024xf32, #tpu.memory_space<vmem>>) target_semaphore(%arg8 : memref<!tpu.dma_semaphore, #tpu.memory_space<semaphore_mem>>)
    %dma_wait3A_295 = arith.constant 0 : i32
    %dma_wait3A_296 = tpu.memref_slice %arg3[%dma_wait3A_295, %add3A_280] : memref<32x1000000xf32, #tpu.memory_space<hbm>> -> memref<32x1024xf32, #tpu.memory_space<hbm>>
    %dma_wait3A_297 = arith.constant 0 : i32
    %dma_wait3A_298 = tpu.memref_slice %arg3[%dma_wait3A_297, %add3A_280] : memref<32x1000000xf32, #tpu.memory_space<hbm>> -> memref<32x1024xf32, #tpu.memory_space<hbm>>
    tpu.wait_dma2 semaphore(%arg7 : memref<!tpu.dma_semaphore, #tpu.memory_space<semaphore_mem>>) src(%dma_wait3A_298 : memref<32x1024xf32, #tpu.memory_space<hbm>>) dst(%arg5 : memref<32x1024xf32, #tpu.memory_space<vmem>>)
    %dma_wait3A_299 = arith.constant 0 : i32
    %dma_wait3A_300 = tpu.memref_slice %arg3[%dma_wait3A_299, %add3A_290] : memref<32x1000000xf32, #tpu.memory_space<hbm>> -> memref<32x1024xf32, #tpu.memory_space<hbm>>
    %dma_wait3A_301 = arith.constant 0 : i32
    %dma_wait3A_302 = tpu.memref_slice %arg3[%dma_wait3A_301, %add3A_290] : memref<32x1000000xf32, #tpu.memory_space<hbm>> -> memref<32x1024xf32, #tpu.memory_space<hbm>>
    tpu.wait_dma2 semaphore(%arg8 : memref<!tpu.dma_semaphore, #tpu.memory_space<semaphore_mem>>) src(%dma_wait3A_302 : memref<32x1024xf32, #tpu.memory_space<hbm>>) dst(%arg6 : memref<32x1024xf32, #tpu.memory_space<vmem>>)
    "tpu.region"() ({
      %run_scoped3A = tpu.sem_alloc : memref<!tpu.dma_semaphore, #tpu.memory_space<semaphore_mem>>
      %dma_start3A_303 = arith.constant 0 : i32
      %dma_start3A_304 = arith.constant 0 : i32
      %dma_start3A_305 = tpu.memref_slice %arg5[%dma_start3A_303, %dma_start3A_304] : memref<32x1024xf32, #tpu.memory_space<vmem>> -> memref<32x512xf32, #tpu.memory_space<vmem>>
      %dma_start3A_306 = arith.constant 0 : i32
      %dma_start3A_307 = tpu.memref_slice %arg4[%dma_start3A_306, %mul3A_4] : memref<32x16384xf32, #tpu.memory_space<hbm>> -> memref<32x512xf32, #tpu.memory_space<hbm>>
      %dma_start3A_308 = arith.constant 0 : i32
      %dma_start3A_309 = tpu.memref_slice %arg4[%dma_start3A_308, %mul3A_4] : memref<32x16384xf32, #tpu.memory_space<hbm>> -> memref<32x512xf32, #tpu.memory_space<hbm>>
      %dma_start3A_310 = arith.constant 0 : i32
      %dma_start3A_311 = arith.constant 0 : i32
      %dma_start3A_312 = tpu.memref_slice %arg5[%dma_start3A_310, %dma_start3A_311] : memref<32x1024xf32, #tpu.memory_space<vmem>> -> memref<32x512xf32, #tpu.memory_space<vmem>>
      tpu.enqueue_dma source(%dma_start3A_312 : memref<32x512xf32, #tpu.memory_space<vmem>>) target(%dma_start3A_309 : memref<32x512xf32, #tpu.memory_space<hbm>>) target_semaphore(%run_scoped3A : memref<!tpu.dma_semaphore, #tpu.memory_space<semaphore_mem>>)
      %dma_wait3A_313 = arith.constant 0 : i32
      %dma_wait3A_314 = arith.constant 0 : i32
      %dma_wait3A_315 = tpu.memref_slice %arg5[%dma_wait3A_313, %dma_wait3A_314] : memref<32x1024xf32, #tpu.memory_space<vmem>> -> memref<32x512xf32, #tpu.memory_space<vmem>>
      %dma_wait3A_316 = arith.constant 0 : i32
      %dma_wait3A_317 = tpu.memref_slice %arg4[%dma_wait3A_316, %mul3A_4] : memref<32x16384xf32, #tpu.memory_space<hbm>> -> memref<32x512xf32, #tpu.memory_space<hbm>>
      %dma_wait3A_318 = arith.constant 0 : i32
      %dma_wait3A_319 = tpu.memref_slice %arg4[%dma_wait3A_318, %mul3A_4] : memref<32x16384xf32, #tpu.memory_space<hbm>> -> memref<32x512xf32, #tpu.memory_space<hbm>>
      %dma_wait3A_320 = arith.constant 0 : i32
      %dma_wait3A_321 = arith.constant 0 : i32
      %dma_wait3A_322 = tpu.memref_slice %arg5[%dma_wait3A_320, %dma_wait3A_321] : memref<32x1024xf32, #tpu.memory_space<vmem>> -> memref<32x512xf32, #tpu.memory_space<vmem>>
      tpu.wait_dma2 semaphore(%run_scoped3A : memref<!tpu.dma_semaphore, #tpu.memory_space<semaphore_mem>>) src(%dma_wait3A_322 : memref<32x512xf32, #tpu.memory_space<vmem>>) dst(%dma_wait3A_319 : memref<32x512xf32, #tpu.memory_space<hbm>>)
      tpu.yield
    }) : () -> ()
    return
  }
}

#map = affine_map<(d0, d1) -> (0)>
#map1 = affine_map<(d0, d1) -> (0, 0)>
module attributes {stable_mosaic.version = 14 : i64} {
  func.func @_sweep_one(%arg0: i32, %arg1: i32, %arg2: memref<16384xi32, #tpu.memory_space<hbm>>, %arg3: memref<32x1000000xf32, #tpu.memory_space<hbm>>, %arg4: memref<32x16384xf32, #tpu.memory_space<hbm>>, %arg5: memref<32x1024xf32, #tpu.memory_space<vmem>>, %arg6: memref<32x1024xf32, #tpu.memory_space<vmem>>, %arg7: memref<!tpu.dma_semaphore, #tpu.memory_space<semaphore_mem>>, %arg8: memref<!tpu.dma_semaphore, #tpu.memory_space<semaphore_mem>>) attributes {dimension_semantics = [#tpu.dimension_semantics<core_parallel>, #tpu.dimension_semantics<subcore_parallel>], iteration_bounds = array<i64: 2, 16>, scalar_prefetch = 0 : i64, scratch_operands = 4 : i64, tpu.core_type = #tpu.core_type<sc_vector_subcore>, window_params = [{transform_indices = #map}, {transform_indices = #map1}, {transform_indices = #map1}]} {
    %mul3A = arith.constant 2 : i32
    %mul3A_0 = arith.muli %arg1, %mul3A : i32
    %add3A = arith.addi %mul3A_0, %arg0 : i32
    %mul3A_1 = arith.constant 31232 : i32
    %mul3A_2 = arith.muli %add3A, %mul3A_1 : i32
    %mul3A_3 = arith.constant 512 : i32
    %mul3A_4 = arith.muli %add3A, %mul3A_3 : i32
    %add3A_5 = arith.constant 0 : i32
    %add3A_6 = arith.addi %mul3A_2, %add3A_5 : i32
    %dma_start3A = arith.constant 0 : i32
    %dma_start3A_7 = tpu.memref_slice %arg3[%dma_start3A, %add3A_6] : memref<32x1000000xf32, #tpu.memory_space<hbm>> -> memref<32x1024xf32, #tpu.memory_space<hbm>>
    %dma_start3A_8 = arith.constant 0 : i32
    %dma_start3A_9 = tpu.memref_slice %arg3[%dma_start3A_8, %add3A_6] : memref<32x1000000xf32, #tpu.memory_space<hbm>> -> memref<32x1024xf32, #tpu.memory_space<hbm>>
    tpu.enqueue_dma source(%dma_start3A_9 : memref<32x1024xf32, #tpu.memory_space<hbm>>) target(%arg5 : memref<32x1024xf32, #tpu.memory_space<vmem>>) target_semaphore(%arg7 : memref<!tpu.dma_semaphore, #tpu.memory_space<semaphore_mem>>)
    %add3A_10 = arith.constant 1024 : i32
    %add3A_11 = arith.addi %mul3A_2, %add3A_10 : i32
    %dma_start3A_12 = arith.constant 0 : i32
    %dma_start3A_13 = tpu.memref_slice %arg3[%dma_start3A_12, %add3A_11] : memref<32x1000000xf32, #tpu.memory_space<hbm>> -> memref<32x1024xf32, #tpu.memory_space<hbm>>
    %dma_start3A_14 = arith.constant 0 : i32
    %dma_start3A_15 = tpu.memref_slice %arg3[%dma_start3A_14, %add3A_11] : memref<32x1000000xf32, #tpu.memory_space<hbm>> -> memref<32x1024xf32, #tpu.memory_space<hbm>>
    tpu.enqueue_dma source(%dma_start3A_15 : memref<32x1024xf32, #tpu.memory_space<hbm>>) target(%arg6 : memref<32x1024xf32, #tpu.memory_space<vmem>>) target_semaphore(%arg8 : memref<!tpu.dma_semaphore, #tpu.memory_space<semaphore_mem>>)
    %dma_wait3A = arith.constant 0 : i32
    %dma_wait3A_16 = tpu.memref_slice %arg3[%dma_wait3A, %add3A_6] : memref<32x1000000xf32, #tpu.memory_space<hbm>> -> memref<32x1024xf32, #tpu.memory_space<hbm>>
    %dma_wait3A_17 = arith.constant 0 : i32
    %dma_wait3A_18 = tpu.memref_slice %arg3[%dma_wait3A_17, %add3A_6] : memref<32x1000000xf32, #tpu.memory_space<hbm>> -> memref<32x1024xf32, #tpu.memory_space<hbm>>
    tpu.wait_dma2 semaphore(%arg7 : memref<!tpu.dma_semaphore, #tpu.memory_space<semaphore_mem>>) src(%dma_wait3A_18 : memref<32x1024xf32, #tpu.memory_space<hbm>>) dst(%arg5 : memref<32x1024xf32, #tpu.memory_space<vmem>>)
    %add3A_19 = arith.constant 2048 : i32
    %add3A_20 = arith.addi %mul3A_2, %add3A_19 : i32
    %dma_start3A_21 = arith.constant 0 : i32
    %dma_start3A_22 = tpu.memref_slice %arg3[%dma_start3A_21, %add3A_20] : memref<32x1000000xf32, #tpu.memory_space<hbm>> -> memref<32x1024xf32, #tpu.memory_space<hbm>>
    %dma_start3A_23 = arith.constant 0 : i32
    %dma_start3A_24 = tpu.memref_slice %arg3[%dma_start3A_23, %add3A_20] : memref<32x1000000xf32, #tpu.memory_space<hbm>> -> memref<32x1024xf32, #tpu.memory_space<hbm>>
    tpu.enqueue_dma source(%dma_start3A_24 : memref<32x1024xf32, #tpu.memory_space<hbm>>) target(%arg5 : memref<32x1024xf32, #tpu.memory_space<vmem>>) target_semaphore(%arg7 : memref<!tpu.dma_semaphore, #tpu.memory_space<semaphore_mem>>)
    %dma_wait3A_25 = arith.constant 0 : i32
    %dma_wait3A_26 = tpu.memref_slice %arg3[%dma_wait3A_25, %add3A_11] : memref<32x1000000xf32, #tpu.memory_space<hbm>> -> memref<32x1024xf32, #tpu.memory_space<hbm>>
    %dma_wait3A_27 = arith.constant 0 : i32
    %dma_wait3A_28 = tpu.memref_slice %arg3[%dma_wait3A_27, %add3A_11] : memref<32x1000000xf32, #tpu.memory_space<hbm>> -> memref<32x1024xf32, #tpu.memory_space<hbm>>
    tpu.wait_dma2 semaphore(%arg8 : memref<!tpu.dma_semaphore, #tpu.memory_space<semaphore_mem>>) src(%dma_wait3A_28 : memref<32x1024xf32, #tpu.memory_space<hbm>>) dst(%arg6 : memref<32x1024xf32, #tpu.memory_space<vmem>>)
    %add3A_29 = arith.constant 3072 : i32
    %add3A_30 = arith.addi %mul3A_2, %add3A_29 : i32
    %dma_start3A_31 = arith.constant 0 : i32
    %dma_start3A_32 = tpu.memref_slice %arg3[%dma_start3A_31, %add3A_30] : memref<32x1000000xf32, #tpu.memory_space<hbm>> -> memref<32x1024xf32, #tpu.memory_space<hbm>>
    %dma_start3A_33 = arith.constant 0 : i32
    %dma_start3A_34 = tpu.memref_slice %arg3[%dma_start3A_33, %add3A_30] : memref<32x1000000xf32, #tpu.memory_space<hbm>> -> memref<32x1024xf32, #tpu.memory_space<hbm>>
    tpu.enqueue_dma source(%dma_start3A_34 : memref<32x1024xf32, #tpu.memory_space<hbm>>) target(%arg6 : memref<32x1024xf32, #tpu.memory_space<vmem>>) target_semaphore(%arg8 : memref<!tpu.dma_semaphore, #tpu.memory_space<semaphore_mem>>)
    %dma_wait3A_35 = arith.constant 0 : i32
    %dma_wait3A_36 = tpu.memref_slice %arg3[%dma_wait3A_35, %add3A_20] : memref<32x1000000xf32, #tpu.memory_space<hbm>> -> memref<32x1024xf32, #tpu.memory_space<hbm>>
    %dma_wait3A_37 = arith.constant 0 : i32
    %dma_wait3A_38 = tpu.memref_slice %arg3[%dma_wait3A_37, %add3A_20] : memref<32x1000000xf32, #tpu.memory_space<hbm>> -> memref<32x1024xf32, #tpu.memory_space<hbm>>
    tpu.wait_dma2 semaphore(%arg7 : memref<!tpu.dma_semaphore, #tpu.memory_space<semaphore_mem>>) src(%dma_wait3A_38 : memref<32x1024xf32, #tpu.memory_space<hbm>>) dst(%arg5 : memref<32x1024xf32, #tpu.memory_space<vmem>>)
    %add3A_39 = arith.constant 4096 : i32
    %add3A_40 = arith.addi %mul3A_2, %add3A_39 : i32
    %dma_start3A_41 = arith.constant 0 : i32
    %dma_start3A_42 = tpu.memref_slice %arg3[%dma_start3A_41, %add3A_40] : memref<32x1000000xf32, #tpu.memory_space<hbm>> -> memref<32x1024xf32, #tpu.memory_space<hbm>>
    %dma_start3A_43 = arith.constant 0 : i32
    %dma_start3A_44 = tpu.memref_slice %arg3[%dma_start3A_43, %add3A_40] : memref<32x1000000xf32, #tpu.memory_space<hbm>> -> memref<32x1024xf32, #tpu.memory_space<hbm>>
    tpu.enqueue_dma source(%dma_start3A_44 : memref<32x1024xf32, #tpu.memory_space<hbm>>) target(%arg5 : memref<32x1024xf32, #tpu.memory_space<vmem>>) target_semaphore(%arg7 : memref<!tpu.dma_semaphore, #tpu.memory_space<semaphore_mem>>)
    %dma_wait3A_45 = arith.constant 0 : i32
    %dma_wait3A_46 = tpu.memref_slice %arg3[%dma_wait3A_45, %add3A_30] : memref<32x1000000xf32, #tpu.memory_space<hbm>> -> memref<32x1024xf32, #tpu.memory_space<hbm>>
    %dma_wait3A_47 = arith.constant 0 : i32
    %dma_wait3A_48 = tpu.memref_slice %arg3[%dma_wait3A_47, %add3A_30] : memref<32x1000000xf32, #tpu.memory_space<hbm>> -> memref<32x1024xf32, #tpu.memory_space<hbm>>
    tpu.wait_dma2 semaphore(%arg8 : memref<!tpu.dma_semaphore, #tpu.memory_space<semaphore_mem>>) src(%dma_wait3A_48 : memref<32x1024xf32, #tpu.memory_space<hbm>>) dst(%arg6 : memref<32x1024xf32, #tpu.memory_space<vmem>>)
    %add3A_49 = arith.constant 5120 : i32
    %add3A_50 = arith.addi %mul3A_2, %add3A_49 : i32
    %dma_start3A_51 = arith.constant 0 : i32
    %dma_start3A_52 = tpu.memref_slice %arg3[%dma_start3A_51, %add3A_50] : memref<32x1000000xf32, #tpu.memory_space<hbm>> -> memref<32x1024xf32, #tpu.memory_space<hbm>>
    %dma_start3A_53 = arith.constant 0 : i32
    %dma_start3A_54 = tpu.memref_slice %arg3[%dma_start3A_53, %add3A_50] : memref<32x1000000xf32, #tpu.memory_space<hbm>> -> memref<32x1024xf32, #tpu.memory_space<hbm>>
    tpu.enqueue_dma source(%dma_start3A_54 : memref<32x1024xf32, #tpu.memory_space<hbm>>) target(%arg6 : memref<32x1024xf32, #tpu.memory_space<vmem>>) target_semaphore(%arg8 : memref<!tpu.dma_semaphore, #tpu.memory_space<semaphore_mem>>)
    %dma_wait3A_55 = arith.constant 0 : i32
    %dma_wait3A_56 = tpu.memref_slice %arg3[%dma_wait3A_55, %add3A_40] : memref<32x1000000xf32, #tpu.memory_space<hbm>> -> memref<32x1024xf32, #tpu.memory_space<hbm>>
    %dma_wait3A_57 = arith.constant 0 : i32
    %dma_wait3A_58 = tpu.memref_slice %arg3[%dma_wait3A_57, %add3A_40] : memref<32x1000000xf32, #tpu.memory_space<hbm>> -> memref<32x1024xf32, #tpu.memory_space<hbm>>
    tpu.wait_dma2 semaphore(%arg7 : memref<!tpu.dma_semaphore, #tpu.memory_space<semaphore_mem>>) src(%dma_wait3A_58 : memref<32x1024xf32, #tpu.memory_space<hbm>>) dst(%arg5 : memref<32x1024xf32, #tpu.memory_space<vmem>>)
    %add3A_59 = arith.constant 6144 : i32
    %add3A_60 = arith.addi %mul3A_2, %add3A_59 : i32
    %dma_start3A_61 = arith.constant 0 : i32
    %dma_start3A_62 = tpu.memref_slice %arg3[%dma_start3A_61, %add3A_60] : memref<32x1000000xf32, #tpu.memory_space<hbm>> -> memref<32x1024xf32, #tpu.memory_space<hbm>>
    %dma_start3A_63 = arith.constant 0 : i32
    %dma_start3A_64 = tpu.memref_slice %arg3[%dma_start3A_63, %add3A_60] : memref<32x1000000xf32, #tpu.memory_space<hbm>> -> memref<32x1024xf32, #tpu.memory_space<hbm>>
    tpu.enqueue_dma source(%dma_start3A_64 : memref<32x1024xf32, #tpu.memory_space<hbm>>) target(%arg5 : memref<32x1024xf32, #tpu.memory_space<vmem>>) target_semaphore(%arg7 : memref<!tpu.dma_semaphore, #tpu.memory_space<semaphore_mem>>)
    %dma_wait3A_65 = arith.constant 0 : i32
    %dma_wait3A_66 = tpu.memref_slice %arg3[%dma_wait3A_65, %add3A_50] : memref<32x1000000xf32, #tpu.memory_space<hbm>> -> memref<32x1024xf32, #tpu.memory_space<hbm>>
    %dma_wait3A_67 = arith.constant 0 : i32
    %dma_wait3A_68 = tpu.memref_slice %arg3[%dma_wait3A_67, %add3A_50] : memref<32x1000000xf32, #tpu.memory_space<hbm>> -> memref<32x1024xf32, #tpu.memory_space<hbm>>
    tpu.wait_dma2 semaphore(%arg8 : memref<!tpu.dma_semaphore, #tpu.memory_space<semaphore_mem>>) src(%dma_wait3A_68 : memref<32x1024xf32, #tpu.memory_space<hbm>>) dst(%arg6 : memref<32x1024xf32, #tpu.memory_space<vmem>>)
    %add3A_69 = arith.constant 7168 : i32
    %add3A_70 = arith.addi %mul3A_2, %add3A_69 : i32
    %dma_start3A_71 = arith.constant 0 : i32
    %dma_start3A_72 = tpu.memref_slice %arg3[%dma_start3A_71, %add3A_70] : memref<32x1000000xf32, #tpu.memory_space<hbm>> -> memref<32x1024xf32, #tpu.memory_space<hbm>>
    %dma_start3A_73 = arith.constant 0 : i32
    %dma_start3A_74 = tpu.memref_slice %arg3[%dma_start3A_73, %add3A_70] : memref<32x1000000xf32, #tpu.memory_space<hbm>> -> memref<32x1024xf32, #tpu.memory_space<hbm>>
    tpu.enqueue_dma source(%dma_start3A_74 : memref<32x1024xf32, #tpu.memory_space<hbm>>) target(%arg6 : memref<32x1024xf32, #tpu.memory_space<vmem>>) target_semaphore(%arg8 : memref<!tpu.dma_semaphore, #tpu.memory_space<semaphore_mem>>)
    %dma_wait3A_75 = arith.constant 0 : i32
    %dma_wait3A_76 = tpu.memref_slice %arg3[%dma_wait3A_75, %add3A_60] : memref<32x1000000xf32, #tpu.memory_space<hbm>> -> memref<32x1024xf32, #tpu.memory_space<hbm>>
    %dma_wait3A_77 = arith.constant 0 : i32
    %dma_wait3A_78 = tpu.memref_slice %arg3[%dma_wait3A_77, %add3A_60] : memref<32x1000000xf32, #tpu.memory_space<hbm>> -> memref<32x1024xf32, #tpu.memory_space<hbm>>
    tpu.wait_dma2 semaphore(%arg7 : memref<!tpu.dma_semaphore, #tpu.memory_space<semaphore_mem>>) src(%dma_wait3A_78 : memref<32x1024xf32, #tpu.memory_space<hbm>>) dst(%arg5 : memref<32x1024xf32, #tpu.memory_space<vmem>>)
    %add3A_79 = arith.constant 8192 : i32
    %add3A_80 = arith.addi %mul3A_2, %add3A_79 : i32
    %dma_start3A_81 = arith.constant 0 : i32
    %dma_start3A_82 = tpu.memref_slice %arg3[%dma_start3A_81, %add3A_80] : memref<32x1000000xf32, #tpu.memory_space<hbm>> -> memref<32x1024xf32, #tpu.memory_space<hbm>>
    %dma_start3A_83 = arith.constant 0 : i32
    %dma_start3A_84 = tpu.memref_slice %arg3[%dma_start3A_83, %add3A_80] : memref<32x1000000xf32, #tpu.memory_space<hbm>> -> memref<32x1024xf32, #tpu.memory_space<hbm>>
    tpu.enqueue_dma source(%dma_start3A_84 : memref<32x1024xf32, #tpu.memory_space<hbm>>) target(%arg5 : memref<32x1024xf32, #tpu.memory_space<vmem>>) target_semaphore(%arg7 : memref<!tpu.dma_semaphore, #tpu.memory_space<semaphore_mem>>)
    %dma_wait3A_85 = arith.constant 0 : i32
    %dma_wait3A_86 = tpu.memref_slice %arg3[%dma_wait3A_85, %add3A_70] : memref<32x1000000xf32, #tpu.memory_space<hbm>> -> memref<32x1024xf32, #tpu.memory_space<hbm>>
    %dma_wait3A_87 = arith.constant 0 : i32
    %dma_wait3A_88 = tpu.memref_slice %arg3[%dma_wait3A_87, %add3A_70] : memref<32x1000000xf32, #tpu.memory_space<hbm>> -> memref<32x1024xf32, #tpu.memory_space<hbm>>
    tpu.wait_dma2 semaphore(%arg8 : memref<!tpu.dma_semaphore, #tpu.memory_space<semaphore_mem>>) src(%dma_wait3A_88 : memref<32x1024xf32, #tpu.memory_space<hbm>>) dst(%arg6 : memref<32x1024xf32, #tpu.memory_space<vmem>>)
    %add3A_89 = arith.constant 9216 : i32
    %add3A_90 = arith.addi %mul3A_2, %add3A_89 : i32
    %dma_start3A_91 = arith.constant 0 : i32
    %dma_start3A_92 = tpu.memref_slice %arg3[%dma_start3A_91, %add3A_90] : memref<32x1000000xf32, #tpu.memory_space<hbm>> -> memref<32x1024xf32, #tpu.memory_space<hbm>>
    %dma_start3A_93 = arith.constant 0 : i32
    %dma_start3A_94 = tpu.memref_slice %arg3[%dma_start3A_93, %add3A_90] : memref<32x1000000xf32, #tpu.memory_space<hbm>> -> memref<32x1024xf32, #tpu.memory_space<hbm>>
    tpu.enqueue_dma source(%dma_start3A_94 : memref<32x1024xf32, #tpu.memory_space<hbm>>) target(%arg6 : memref<32x1024xf32, #tpu.memory_space<vmem>>) target_semaphore(%arg8 : memref<!tpu.dma_semaphore, #tpu.memory_space<semaphore_mem>>)
    %dma_wait3A_95 = arith.constant 0 : i32
    %dma_wait3A_96 = tpu.memref_slice %arg3[%dma_wait3A_95, %add3A_80] : memref<32x1000000xf32, #tpu.memory_space<hbm>> -> memref<32x1024xf32, #tpu.memory_space<hbm>>
    %dma_wait3A_97 = arith.constant 0 : i32
    %dma_wait3A_98 = tpu.memref_slice %arg3[%dma_wait3A_97, %add3A_80] : memref<32x1000000xf32, #tpu.memory_space<hbm>> -> memref<32x1024xf32, #tpu.memory_space<hbm>>
    tpu.wait_dma2 semaphore(%arg7 : memref<!tpu.dma_semaphore, #tpu.memory_space<semaphore_mem>>) src(%dma_wait3A_98 : memref<32x1024xf32, #tpu.memory_space<hbm>>) dst(%arg5 : memref<32x1024xf32, #tpu.memory_space<vmem>>)
    %add3A_99 = arith.constant 10240 : i32
    %add3A_100 = arith.addi %mul3A_2, %add3A_99 : i32
    %dma_start3A_101 = arith.constant 0 : i32
    %dma_start3A_102 = tpu.memref_slice %arg3[%dma_start3A_101, %add3A_100] : memref<32x1000000xf32, #tpu.memory_space<hbm>> -> memref<32x1024xf32, #tpu.memory_space<hbm>>
    %dma_start3A_103 = arith.constant 0 : i32
    %dma_start3A_104 = tpu.memref_slice %arg3[%dma_start3A_103, %add3A_100] : memref<32x1000000xf32, #tpu.memory_space<hbm>> -> memref<32x1024xf32, #tpu.memory_space<hbm>>
    tpu.enqueue_dma source(%dma_start3A_104 : memref<32x1024xf32, #tpu.memory_space<hbm>>) target(%arg5 : memref<32x1024xf32, #tpu.memory_space<vmem>>) target_semaphore(%arg7 : memref<!tpu.dma_semaphore, #tpu.memory_space<semaphore_mem>>)
    %dma_wait3A_105 = arith.constant 0 : i32
    %dma_wait3A_106 = tpu.memref_slice %arg3[%dma_wait3A_105, %add3A_90] : memref<32x1000000xf32, #tpu.memory_space<hbm>> -> memref<32x1024xf32, #tpu.memory_space<hbm>>
    %dma_wait3A_107 = arith.constant 0 : i32
    %dma_wait3A_108 = tpu.memref_slice %arg3[%dma_wait3A_107, %add3A_90] : memref<32x1000000xf32, #tpu.memory_space<hbm>> -> memref<32x1024xf32, #tpu.memory_space<hbm>>
    tpu.wait_dma2 semaphore(%arg8 : memref<!tpu.dma_semaphore, #tpu.memory_space<semaphore_mem>>) src(%dma_wait3A_108 : memref<32x1024xf32, #tpu.memory_space<hbm>>) dst(%arg6 : memref<32x1024xf32, #tpu.memory_space<vmem>>)
    %add3A_109 = arith.constant 11264 : i32
    %add3A_110 = arith.addi %mul3A_2, %add3A_109 : i32
    %dma_start3A_111 = arith.constant 0 : i32
    %dma_start3A_112 = tpu.memref_slice %arg3[%dma_start3A_111, %add3A_110] : memref<32x1000000xf32, #tpu.memory_space<hbm>> -> memref<32x1024xf32, #tpu.memory_space<hbm>>
    %dma_start3A_113 = arith.constant 0 : i32
    %dma_start3A_114 = tpu.memref_slice %arg3[%dma_start3A_113, %add3A_110] : memref<32x1000000xf32, #tpu.memory_space<hbm>> -> memref<32x1024xf32, #tpu.memory_space<hbm>>
    tpu.enqueue_dma source(%dma_start3A_114 : memref<32x1024xf32, #tpu.memory_space<hbm>>) target(%arg6 : memref<32x1024xf32, #tpu.memory_space<vmem>>) target_semaphore(%arg8 : memref<!tpu.dma_semaphore, #tpu.memory_space<semaphore_mem>>)
    %dma_wait3A_115 = arith.constant 0 : i32
    %dma_wait3A_116 = tpu.memref_slice %arg3[%dma_wait3A_115, %add3A_100] : memref<32x1000000xf32, #tpu.memory_space<hbm>> -> memref<32x1024xf32, #tpu.memory_space<hbm>>
    %dma_wait3A_117 = arith.constant 0 : i32
    %dma_wait3A_118 = tpu.memref_slice %arg3[%dma_wait3A_117, %add3A_100] : memref<32x1000000xf32, #tpu.memory_space<hbm>> -> memref<32x1024xf32, #tpu.memory_space<hbm>>
    tpu.wait_dma2 semaphore(%arg7 : memref<!tpu.dma_semaphore, #tpu.memory_space<semaphore_mem>>) src(%dma_wait3A_118 : memref<32x1024xf32, #tpu.memory_space<hbm>>) dst(%arg5 : memref<32x1024xf32, #tpu.memory_space<vmem>>)
    %add3A_119 = arith.constant 12288 : i32
    %add3A_120 = arith.addi %mul3A_2, %add3A_119 : i32
    %dma_start3A_121 = arith.constant 0 : i32
    %dma_start3A_122 = tpu.memref_slice %arg3[%dma_start3A_121, %add3A_120] : memref<32x1000000xf32, #tpu.memory_space<hbm>> -> memref<32x1024xf32, #tpu.memory_space<hbm>>
    %dma_start3A_123 = arith.constant 0 : i32
    %dma_start3A_124 = tpu.memref_slice %arg3[%dma_start3A_123, %add3A_120] : memref<32x1000000xf32, #tpu.memory_space<hbm>> -> memref<32x1024xf32, #tpu.memory_space<hbm>>
    tpu.enqueue_dma source(%dma_start3A_124 : memref<32x1024xf32, #tpu.memory_space<hbm>>) target(%arg5 : memref<32x1024xf32, #tpu.memory_space<vmem>>) target_semaphore(%arg7 : memref<!tpu.dma_semaphore, #tpu.memory_space<semaphore_mem>>)
    %dma_wait3A_125 = arith.constant 0 : i32
    %dma_wait3A_126 = tpu.memref_slice %arg3[%dma_wait3A_125, %add3A_110] : memref<32x1000000xf32, #tpu.memory_space<hbm>> -> memref<32x1024xf32, #tpu.memory_space<hbm>>
    %dma_wait3A_127 = arith.constant 0 : i32
    %dma_wait3A_128 = tpu.memref_slice %arg3[%dma_wait3A_127, %add3A_110] : memref<32x1000000xf32, #tpu.memory_space<hbm>> -> memref<32x1024xf32, #tpu.memory_space<hbm>>
    tpu.wait_dma2 semaphore(%arg8 : memref<!tpu.dma_semaphore, #tpu.memory_space<semaphore_mem>>) src(%dma_wait3A_128 : memref<32x1024xf32, #tpu.memory_space<hbm>>) dst(%arg6 : memref<32x1024xf32, #tpu.memory_space<vmem>>)
    %add3A_129 = arith.constant 13312 : i32
    %add3A_130 = arith.addi %mul3A_2, %add3A_129 : i32
    %dma_start3A_131 = arith.constant 0 : i32
    %dma_start3A_132 = tpu.memref_slice %arg3[%dma_start3A_131, %add3A_130] : memref<32x1000000xf32, #tpu.memory_space<hbm>> -> memref<32x1024xf32, #tpu.memory_space<hbm>>
    %dma_start3A_133 = arith.constant 0 : i32
    %dma_start3A_134 = tpu.memref_slice %arg3[%dma_start3A_133, %add3A_130] : memref<32x1000000xf32, #tpu.memory_space<hbm>> -> memref<32x1024xf32, #tpu.memory_space<hbm>>
    tpu.enqueue_dma source(%dma_start3A_134 : memref<32x1024xf32, #tpu.memory_space<hbm>>) target(%arg6 : memref<32x1024xf32, #tpu.memory_space<vmem>>) target_semaphore(%arg8 : memref<!tpu.dma_semaphore, #tpu.memory_space<semaphore_mem>>)
    %dma_wait3A_135 = arith.constant 0 : i32
    %dma_wait3A_136 = tpu.memref_slice %arg3[%dma_wait3A_135, %add3A_120] : memref<32x1000000xf32, #tpu.memory_space<hbm>> -> memref<32x1024xf32, #tpu.memory_space<hbm>>
    %dma_wait3A_137 = arith.constant 0 : i32
    %dma_wait3A_138 = tpu.memref_slice %arg3[%dma_wait3A_137, %add3A_120] : memref<32x1000000xf32, #tpu.memory_space<hbm>> -> memref<32x1024xf32, #tpu.memory_space<hbm>>
    tpu.wait_dma2 semaphore(%arg7 : memref<!tpu.dma_semaphore, #tpu.memory_space<semaphore_mem>>) src(%dma_wait3A_138 : memref<32x1024xf32, #tpu.memory_space<hbm>>) dst(%arg5 : memref<32x1024xf32, #tpu.memory_space<vmem>>)
    %add3A_139 = arith.constant 14336 : i32
    %add3A_140 = arith.addi %mul3A_2, %add3A_139 : i32
    %dma_start3A_141 = arith.constant 0 : i32
    %dma_start3A_142 = tpu.memref_slice %arg3[%dma_start3A_141, %add3A_140] : memref<32x1000000xf32, #tpu.memory_space<hbm>> -> memref<32x1024xf32, #tpu.memory_space<hbm>>
    %dma_start3A_143 = arith.constant 0 : i32
    %dma_start3A_144 = tpu.memref_slice %arg3[%dma_start3A_143, %add3A_140] : memref<32x1000000xf32, #tpu.memory_space<hbm>> -> memref<32x1024xf32, #tpu.memory_space<hbm>>
    tpu.enqueue_dma source(%dma_start3A_144 : memref<32x1024xf32, #tpu.memory_space<hbm>>) target(%arg5 : memref<32x1024xf32, #tpu.memory_space<vmem>>) target_semaphore(%arg7 : memref<!tpu.dma_semaphore, #tpu.memory_space<semaphore_mem>>)
    %dma_wait3A_145 = arith.constant 0 : i32
    %dma_wait3A_146 = tpu.memref_slice %arg3[%dma_wait3A_145, %add3A_130] : memref<32x1000000xf32, #tpu.memory_space<hbm>> -> memref<32x1024xf32, #tpu.memory_space<hbm>>
    %dma_wait3A_147 = arith.constant 0 : i32
    %dma_wait3A_148 = tpu.memref_slice %arg3[%dma_wait3A_147, %add3A_130] : memref<32x1000000xf32, #tpu.memory_space<hbm>> -> memref<32x1024xf32, #tpu.memory_space<hbm>>
    tpu.wait_dma2 semaphore(%arg8 : memref<!tpu.dma_semaphore, #tpu.memory_space<semaphore_mem>>) src(%dma_wait3A_148 : memref<32x1024xf32, #tpu.memory_space<hbm>>) dst(%arg6 : memref<32x1024xf32, #tpu.memory_space<vmem>>)
    %add3A_149 = arith.constant 15360 : i32
    %add3A_150 = arith.addi %mul3A_2, %add3A_149 : i32
    %dma_start3A_151 = arith.constant 0 : i32
    %dma_start3A_152 = tpu.memref_slice %arg3[%dma_start3A_151, %add3A_150] : memref<32x1000000xf32, #tpu.memory_space<hbm>> -> memref<32x1024xf32, #tpu.memory_space<hbm>>
    %dma_start3A_153 = arith.constant 0 : i32
    %dma_start3A_154 = tpu.memref_slice %arg3[%dma_start3A_153, %add3A_150] : memref<32x1000000xf32, #tpu.memory_space<hbm>> -> memref<32x1024xf32, #tpu.memory_space<hbm>>
    tpu.enqueue_dma source(%dma_start3A_154 : memref<32x1024xf32, #tpu.memory_space<hbm>>) target(%arg6 : memref<32x1024xf32, #tpu.memory_space<vmem>>) target_semaphore(%arg8 : memref<!tpu.dma_semaphore, #tpu.memory_space<semaphore_mem>>)
    %dma_wait3A_155 = arith.constant 0 : i32
    %dma_wait3A_156 = tpu.memref_slice %arg3[%dma_wait3A_155, %add3A_140] : memref<32x1000000xf32, #tpu.memory_space<hbm>> -> memref<32x1024xf32, #tpu.memory_space<hbm>>
    %dma_wait3A_157 = arith.constant 0 : i32
    %dma_wait3A_158 = tpu.memref_slice %arg3[%dma_wait3A_157, %add3A_140] : memref<32x1000000xf32, #tpu.memory_space<hbm>> -> memref<32x1024xf32, #tpu.memory_space<hbm>>
    tpu.wait_dma2 semaphore(%arg7 : memref<!tpu.dma_semaphore, #tpu.memory_space<semaphore_mem>>) src(%dma_wait3A_158 : memref<32x1024xf32, #tpu.memory_space<hbm>>) dst(%arg5 : memref<32x1024xf32, #tpu.memory_space<vmem>>)
    %add3A_159 = arith.constant 16384 : i32
    %add3A_160 = arith.addi %mul3A_2, %add3A_159 : i32
    %dma_start3A_161 = arith.constant 0 : i32
    %dma_start3A_162 = tpu.memref_slice %arg3[%dma_start3A_161, %add3A_160] : memref<32x1000000xf32, #tpu.memory_space<hbm>> -> memref<32x1024xf32, #tpu.memory_space<hbm>>
    %dma_start3A_163 = arith.constant 0 : i32
    %dma_start3A_164 = tpu.memref_slice %arg3[%dma_start3A_163, %add3A_160] : memref<32x1000000xf32, #tpu.memory_space<hbm>> -> memref<32x1024xf32, #tpu.memory_space<hbm>>
    tpu.enqueue_dma source(%dma_start3A_164 : memref<32x1024xf32, #tpu.memory_space<hbm>>) target(%arg5 : memref<32x1024xf32, #tpu.memory_space<vmem>>) target_semaphore(%arg7 : memref<!tpu.dma_semaphore, #tpu.memory_space<semaphore_mem>>)
    %dma_wait3A_165 = arith.constant 0 : i32
    %dma_wait3A_166 = tpu.memref_slice %arg3[%dma_wait3A_165, %add3A_150] : memref<32x1000000xf32, #tpu.memory_space<hbm>> -> memref<32x1024xf32, #tpu.memory_space<hbm>>
    %dma_wait3A_167 = arith.constant 0 : i32
    %dma_wait3A_168 = tpu.memref_slice %arg3[%dma_wait3A_167, %add3A_150] : memref<32x1000000xf32, #tpu.memory_space<hbm>> -> memref<32x1024xf32, #tpu.memory_space<hbm>>
    tpu.wait_dma2 semaphore(%arg8 : memref<!tpu.dma_semaphore, #tpu.memory_space<semaphore_mem>>) src(%dma_wait3A_168 : memref<32x1024xf32, #tpu.memory_space<hbm>>) dst(%arg6 : memref<32x1024xf32, #tpu.memory_space<vmem>>)
    %add3A_169 = arith.constant 17408 : i32
    %add3A_170 = arith.addi %mul3A_2, %add3A_169 : i32
    %dma_start3A_171 = arith.constant 0 : i32
    %dma_start3A_172 = tpu.memref_slice %arg3[%dma_start3A_171, %add3A_170] : memref<32x1000000xf32, #tpu.memory_space<hbm>> -> memref<32x1024xf32, #tpu.memory_space<hbm>>
    %dma_start3A_173 = arith.constant 0 : i32
    %dma_start3A_174 = tpu.memref_slice %arg3[%dma_start3A_173, %add3A_170] : memref<32x1000000xf32, #tpu.memory_space<hbm>> -> memref<32x1024xf32, #tpu.memory_space<hbm>>
    tpu.enqueue_dma source(%dma_start3A_174 : memref<32x1024xf32, #tpu.memory_space<hbm>>) target(%arg6 : memref<32x1024xf32, #tpu.memory_space<vmem>>) target_semaphore(%arg8 : memref<!tpu.dma_semaphore, #tpu.memory_space<semaphore_mem>>)
    %dma_wait3A_175 = arith.constant 0 : i32
    %dma_wait3A_176 = tpu.memref_slice %arg3[%dma_wait3A_175, %add3A_160] : memref<32x1000000xf32, #tpu.memory_space<hbm>> -> memref<32x1024xf32, #tpu.memory_space<hbm>>
    %dma_wait3A_177 = arith.constant 0 : i32
    %dma_wait3A_178 = tpu.memref_slice %arg3[%dma_wait3A_177, %add3A_160] : memref<32x1000000xf32, #tpu.memory_space<hbm>> -> memref<32x1024xf32, #tpu.memory_space<hbm>>
    tpu.wait_dma2 semaphore(%arg7 : memref<!tpu.dma_semaphore, #tpu.memory_space<semaphore_mem>>) src(%dma_wait3A_178 : memref<32x1024xf32, #tpu.memory_space<hbm>>) dst(%arg5 : memref<32x1024xf32, #tpu.memory_space<vmem>>)
    %add3A_179 = arith.constant 18432 : i32
    %add3A_180 = arith.addi %mul3A_2, %add3A_179 : i32
    %dma_start3A_181 = arith.constant 0 : i32
    %dma_start3A_182 = tpu.memref_slice %arg3[%dma_start3A_181, %add3A_180] : memref<32x1000000xf32, #tpu.memory_space<hbm>> -> memref<32x1024xf32, #tpu.memory_space<hbm>>
    %dma_start3A_183 = arith.constant 0 : i32
    %dma_start3A_184 = tpu.memref_slice %arg3[%dma_start3A_183, %add3A_180] : memref<32x1000000xf32, #tpu.memory_space<hbm>> -> memref<32x1024xf32, #tpu.memory_space<hbm>>
    tpu.enqueue_dma source(%dma_start3A_184 : memref<32x1024xf32, #tpu.memory_space<hbm>>) target(%arg5 : memref<32x1024xf32, #tpu.memory_space<vmem>>) target_semaphore(%arg7 : memref<!tpu.dma_semaphore, #tpu.memory_space<semaphore_mem>>)
    %dma_wait3A_185 = arith.constant 0 : i32
    %dma_wait3A_186 = tpu.memref_slice %arg3[%dma_wait3A_185, %add3A_170] : memref<32x1000000xf32, #tpu.memory_space<hbm>> -> memref<32x1024xf32, #tpu.memory_space<hbm>>
    %dma_wait3A_187 = arith.constant 0 : i32
    %dma_wait3A_188 = tpu.memref_slice %arg3[%dma_wait3A_187, %add3A_170] : memref<32x1000000xf32, #tpu.memory_space<hbm>> -> memref<32x1024xf32, #tpu.memory_space<hbm>>
    tpu.wait_dma2 semaphore(%arg8 : memref<!tpu.dma_semaphore, #tpu.memory_space<semaphore_mem>>) src(%dma_wait3A_188 : memref<32x1024xf32, #tpu.memory_space<hbm>>) dst(%arg6 : memref<32x1024xf32, #tpu.memory_space<vmem>>)
    %add3A_189 = arith.constant 19456 : i32
    %add3A_190 = arith.addi %mul3A_2, %add3A_189 : i32
    %dma_start3A_191 = arith.constant 0 : i32
    %dma_start3A_192 = tpu.memref_slice %arg3[%dma_start3A_191, %add3A_190] : memref<32x1000000xf32, #tpu.memory_space<hbm>> -> memref<32x1024xf32, #tpu.memory_space<hbm>>
    %dma_start3A_193 = arith.constant 0 : i32
    %dma_start3A_194 = tpu.memref_slice %arg3[%dma_start3A_193, %add3A_190] : memref<32x1000000xf32, #tpu.memory_space<hbm>> -> memref<32x1024xf32, #tpu.memory_space<hbm>>
    tpu.enqueue_dma source(%dma_start3A_194 : memref<32x1024xf32, #tpu.memory_space<hbm>>) target(%arg6 : memref<32x1024xf32, #tpu.memory_space<vmem>>) target_semaphore(%arg8 : memref<!tpu.dma_semaphore, #tpu.memory_space<semaphore_mem>>)
    %dma_wait3A_195 = arith.constant 0 : i32
    %dma_wait3A_196 = tpu.memref_slice %arg3[%dma_wait3A_195, %add3A_180] : memref<32x1000000xf32, #tpu.memory_space<hbm>> -> memref<32x1024xf32, #tpu.memory_space<hbm>>
    %dma_wait3A_197 = arith.constant 0 : i32
    %dma_wait3A_198 = tpu.memref_slice %arg3[%dma_wait3A_197, %add3A_180] : memref<32x1000000xf32, #tpu.memory_space<hbm>> -> memref<32x1024xf32, #tpu.memory_space<hbm>>
    tpu.wait_dma2 semaphore(%arg7 : memref<!tpu.dma_semaphore, #tpu.memory_space<semaphore_mem>>) src(%dma_wait3A_198 : memref<32x1024xf32, #tpu.memory_space<hbm>>) dst(%arg5 : memref<32x1024xf32, #tpu.memory_space<vmem>>)
    %add3A_199 = arith.constant 20480 : i32
    %add3A_200 = arith.addi %mul3A_2, %add3A_199 : i32
    %dma_start3A_201 = arith.constant 0 : i32
    %dma_start3A_202 = tpu.memref_slice %arg3[%dma_start3A_201, %add3A_200] : memref<32x1000000xf32, #tpu.memory_space<hbm>> -> memref<32x1024xf32, #tpu.memory_space<hbm>>
    %dma_start3A_203 = arith.constant 0 : i32
    %dma_start3A_204 = tpu.memref_slice %arg3[%dma_start3A_203, %add3A_200] : memref<32x1000000xf32, #tpu.memory_space<hbm>> -> memref<32x1024xf32, #tpu.memory_space<hbm>>
    tpu.enqueue_dma source(%dma_start3A_204 : memref<32x1024xf32, #tpu.memory_space<hbm>>) target(%arg5 : memref<32x1024xf32, #tpu.memory_space<vmem>>) target_semaphore(%arg7 : memref<!tpu.dma_semaphore, #tpu.memory_space<semaphore_mem>>)
    %dma_wait3A_205 = arith.constant 0 : i32
    %dma_wait3A_206 = tpu.memref_slice %arg3[%dma_wait3A_205, %add3A_190] : memref<32x1000000xf32, #tpu.memory_space<hbm>> -> memref<32x1024xf32, #tpu.memory_space<hbm>>
    %dma_wait3A_207 = arith.constant 0 : i32
    %dma_wait3A_208 = tpu.memref_slice %arg3[%dma_wait3A_207, %add3A_190] : memref<32x1000000xf32, #tpu.memory_space<hbm>> -> memref<32x1024xf32, #tpu.memory_space<hbm>>
    tpu.wait_dma2 semaphore(%arg8 : memref<!tpu.dma_semaphore, #tpu.memory_space<semaphore_mem>>) src(%dma_wait3A_208 : memref<32x1024xf32, #tpu.memory_space<hbm>>) dst(%arg6 : memref<32x1024xf32, #tpu.memory_space<vmem>>)
    %add3A_209 = arith.constant 21504 : i32
    %add3A_210 = arith.addi %mul3A_2, %add3A_209 : i32
    %dma_start3A_211 = arith.constant 0 : i32
    %dma_start3A_212 = tpu.memref_slice %arg3[%dma_start3A_211, %add3A_210] : memref<32x1000000xf32, #tpu.memory_space<hbm>> -> memref<32x1024xf32, #tpu.memory_space<hbm>>
    %dma_start3A_213 = arith.constant 0 : i32
    %dma_start3A_214 = tpu.memref_slice %arg3[%dma_start3A_213, %add3A_210] : memref<32x1000000xf32, #tpu.memory_space<hbm>> -> memref<32x1024xf32, #tpu.memory_space<hbm>>
    tpu.enqueue_dma source(%dma_start3A_214 : memref<32x1024xf32, #tpu.memory_space<hbm>>) target(%arg6 : memref<32x1024xf32, #tpu.memory_space<vmem>>) target_semaphore(%arg8 : memref<!tpu.dma_semaphore, #tpu.memory_space<semaphore_mem>>)
    %dma_wait3A_215 = arith.constant 0 : i32
    %dma_wait3A_216 = tpu.memref_slice %arg3[%dma_wait3A_215, %add3A_200] : memref<32x1000000xf32, #tpu.memory_space<hbm>> -> memref<32x1024xf32, #tpu.memory_space<hbm>>
    %dma_wait3A_217 = arith.constant 0 : i32
    %dma_wait3A_218 = tpu.memref_slice %arg3[%dma_wait3A_217, %add3A_200] : memref<32x1000000xf32, #tpu.memory_space<hbm>> -> memref<32x1024xf32, #tpu.memory_space<hbm>>
    tpu.wait_dma2 semaphore(%arg7 : memref<!tpu.dma_semaphore, #tpu.memory_space<semaphore_mem>>) src(%dma_wait3A_218 : memref<32x1024xf32, #tpu.memory_space<hbm>>) dst(%arg5 : memref<32x1024xf32, #tpu.memory_space<vmem>>)
    %add3A_219 = arith.constant 22528 : i32
    %add3A_220 = arith.addi %mul3A_2, %add3A_219 : i32
    %dma_start3A_221 = arith.constant 0 : i32
    %dma_start3A_222 = tpu.memref_slice %arg3[%dma_start3A_221, %add3A_220] : memref<32x1000000xf32, #tpu.memory_space<hbm>> -> memref<32x1024xf32, #tpu.memory_space<hbm>>
    %dma_start3A_223 = arith.constant 0 : i32
    %dma_start3A_224 = tpu.memref_slice %arg3[%dma_start3A_223, %add3A_220] : memref<32x1000000xf32, #tpu.memory_space<hbm>> -> memref<32x1024xf32, #tpu.memory_space<hbm>>
    tpu.enqueue_dma source(%dma_start3A_224 : memref<32x1024xf32, #tpu.memory_space<hbm>>) target(%arg5 : memref<32x1024xf32, #tpu.memory_space<vmem>>) target_semaphore(%arg7 : memref<!tpu.dma_semaphore, #tpu.memory_space<semaphore_mem>>)
    %dma_wait3A_225 = arith.constant 0 : i32
    %dma_wait3A_226 = tpu.memref_slice %arg3[%dma_wait3A_225, %add3A_210] : memref<32x1000000xf32, #tpu.memory_space<hbm>> -> memref<32x1024xf32, #tpu.memory_space<hbm>>
    %dma_wait3A_227 = arith.constant 0 : i32
    %dma_wait3A_228 = tpu.memref_slice %arg3[%dma_wait3A_227, %add3A_210] : memref<32x1000000xf32, #tpu.memory_space<hbm>> -> memref<32x1024xf32, #tpu.memory_space<hbm>>
    tpu.wait_dma2 semaphore(%arg8 : memref<!tpu.dma_semaphore, #tpu.memory_space<semaphore_mem>>) src(%dma_wait3A_228 : memref<32x1024xf32, #tpu.memory_space<hbm>>) dst(%arg6 : memref<32x1024xf32, #tpu.memory_space<vmem>>)
    %add3A_229 = arith.constant 23552 : i32
    %add3A_230 = arith.addi %mul3A_2, %add3A_229 : i32
    %dma_start3A_231 = arith.constant 0 : i32
    %dma_start3A_232 = tpu.memref_slice %arg3[%dma_start3A_231, %add3A_230] : memref<32x1000000xf32, #tpu.memory_space<hbm>> -> memref<32x1024xf32, #tpu.memory_space<hbm>>
    %dma_start3A_233 = arith.constant 0 : i32
    %dma_start3A_234 = tpu.memref_slice %arg3[%dma_start3A_233, %add3A_230] : memref<32x1000000xf32, #tpu.memory_space<hbm>> -> memref<32x1024xf32, #tpu.memory_space<hbm>>
    tpu.enqueue_dma source(%dma_start3A_234 : memref<32x1024xf32, #tpu.memory_space<hbm>>) target(%arg6 : memref<32x1024xf32, #tpu.memory_space<vmem>>) target_semaphore(%arg8 : memref<!tpu.dma_semaphore, #tpu.memory_space<semaphore_mem>>)
    %dma_wait3A_235 = arith.constant 0 : i32
    %dma_wait3A_236 = tpu.memref_slice %arg3[%dma_wait3A_235, %add3A_220] : memref<32x1000000xf32, #tpu.memory_space<hbm>> -> memref<32x1024xf32, #tpu.memory_space<hbm>>
    %dma_wait3A_237 = arith.constant 0 : i32
    %dma_wait3A_238 = tpu.memref_slice %arg3[%dma_wait3A_237, %add3A_220] : memref<32x1000000xf32, #tpu.memory_space<hbm>> -> memref<32x1024xf32, #tpu.memory_space<hbm>>
    tpu.wait_dma2 semaphore(%arg7 : memref<!tpu.dma_semaphore, #tpu.memory_space<semaphore_mem>>) src(%dma_wait3A_238 : memref<32x1024xf32, #tpu.memory_space<hbm>>) dst(%arg5 : memref<32x1024xf32, #tpu.memory_space<vmem>>)
    %add3A_239 = arith.constant 24576 : i32
    %add3A_240 = arith.addi %mul3A_2, %add3A_239 : i32
    %dma_start3A_241 = arith.constant 0 : i32
    %dma_start3A_242 = tpu.memref_slice %arg3[%dma_start3A_241, %add3A_240] : memref<32x1000000xf32, #tpu.memory_space<hbm>> -> memref<32x1024xf32, #tpu.memory_space<hbm>>
    %dma_start3A_243 = arith.constant 0 : i32
    %dma_start3A_244 = tpu.memref_slice %arg3[%dma_start3A_243, %add3A_240] : memref<32x1000000xf32, #tpu.memory_space<hbm>> -> memref<32x1024xf32, #tpu.memory_space<hbm>>
    tpu.enqueue_dma source(%dma_start3A_244 : memref<32x1024xf32, #tpu.memory_space<hbm>>) target(%arg5 : memref<32x1024xf32, #tpu.memory_space<vmem>>) target_semaphore(%arg7 : memref<!tpu.dma_semaphore, #tpu.memory_space<semaphore_mem>>)
    %dma_wait3A_245 = arith.constant 0 : i32
    %dma_wait3A_246 = tpu.memref_slice %arg3[%dma_wait3A_245, %add3A_230] : memref<32x1000000xf32, #tpu.memory_space<hbm>> -> memref<32x1024xf32, #tpu.memory_space<hbm>>
    %dma_wait3A_247 = arith.constant 0 : i32
    %dma_wait3A_248 = tpu.memref_slice %arg3[%dma_wait3A_247, %add3A_230] : memref<32x1000000xf32, #tpu.memory_space<hbm>> -> memref<32x1024xf32, #tpu.memory_space<hbm>>
    tpu.wait_dma2 semaphore(%arg8 : memref<!tpu.dma_semaphore, #tpu.memory_space<semaphore_mem>>) src(%dma_wait3A_248 : memref<32x1024xf32, #tpu.memory_space<hbm>>) dst(%arg6 : memref<32x1024xf32, #tpu.memory_space<vmem>>)
    %add3A_249 = arith.constant 25600 : i32
    %add3A_250 = arith.addi %mul3A_2, %add3A_249 : i32
    %dma_start3A_251 = arith.constant 0 : i32
    %dma_start3A_252 = tpu.memref_slice %arg3[%dma_start3A_251, %add3A_250] : memref<32x1000000xf32, #tpu.memory_space<hbm>> -> memref<32x1024xf32, #tpu.memory_space<hbm>>
    %dma_start3A_253 = arith.constant 0 : i32
    %dma_start3A_254 = tpu.memref_slice %arg3[%dma_start3A_253, %add3A_250] : memref<32x1000000xf32, #tpu.memory_space<hbm>> -> memref<32x1024xf32, #tpu.memory_space<hbm>>
    tpu.enqueue_dma source(%dma_start3A_254 : memref<32x1024xf32, #tpu.memory_space<hbm>>) target(%arg6 : memref<32x1024xf32, #tpu.memory_space<vmem>>) target_semaphore(%arg8 : memref<!tpu.dma_semaphore, #tpu.memory_space<semaphore_mem>>)
    %dma_wait3A_255 = arith.constant 0 : i32
    %dma_wait3A_256 = tpu.memref_slice %arg3[%dma_wait3A_255, %add3A_240] : memref<32x1000000xf32, #tpu.memory_space<hbm>> -> memref<32x1024xf32, #tpu.memory_space<hbm>>
    %dma_wait3A_257 = arith.constant 0 : i32
    %dma_wait3A_258 = tpu.memref_slice %arg3[%dma_wait3A_257, %add3A_240] : memref<32x1000000xf32, #tpu.memory_space<hbm>> -> memref<32x1024xf32, #tpu.memory_space<hbm>>
    tpu.wait_dma2 semaphore(%arg7 : memref<!tpu.dma_semaphore, #tpu.memory_space<semaphore_mem>>) src(%dma_wait3A_258 : memref<32x1024xf32, #tpu.memory_space<hbm>>) dst(%arg5 : memref<32x1024xf32, #tpu.memory_space<vmem>>)
    %add3A_259 = arith.constant 26624 : i32
    %add3A_260 = arith.addi %mul3A_2, %add3A_259 : i32
    %dma_start3A_261 = arith.constant 0 : i32
    %dma_start3A_262 = tpu.memref_slice %arg3[%dma_start3A_261, %add3A_260] : memref<32x1000000xf32, #tpu.memory_space<hbm>> -> memref<32x1024xf32, #tpu.memory_space<hbm>>
    %dma_start3A_263 = arith.constant 0 : i32
    %dma_start3A_264 = tpu.memref_slice %arg3[%dma_start3A_263, %add3A_260] : memref<32x1000000xf32, #tpu.memory_space<hbm>> -> memref<32x1024xf32, #tpu.memory_space<hbm>>
    tpu.enqueue_dma source(%dma_start3A_264 : memref<32x1024xf32, #tpu.memory_space<hbm>>) target(%arg5 : memref<32x1024xf32, #tpu.memory_space<vmem>>) target_semaphore(%arg7 : memref<!tpu.dma_semaphore, #tpu.memory_space<semaphore_mem>>)
    %dma_wait3A_265 = arith.constant 0 : i32
    %dma_wait3A_266 = tpu.memref_slice %arg3[%dma_wait3A_265, %add3A_250] : memref<32x1000000xf32, #tpu.memory_space<hbm>> -> memref<32x1024xf32, #tpu.memory_space<hbm>>
    %dma_wait3A_267 = arith.constant 0 : i32
    %dma_wait3A_268 = tpu.memref_slice %arg3[%dma_wait3A_267, %add3A_250] : memref<32x1000000xf32, #tpu.memory_space<hbm>> -> memref<32x1024xf32, #tpu.memory_space<hbm>>
    tpu.wait_dma2 semaphore(%arg8 : memref<!tpu.dma_semaphore, #tpu.memory_space<semaphore_mem>>) src(%dma_wait3A_268 : memref<32x1024xf32, #tpu.memory_space<hbm>>) dst(%arg6 : memref<32x1024xf32, #tpu.memory_space<vmem>>)
    %add3A_269 = arith.constant 27648 : i32
    %add3A_270 = arith.addi %mul3A_2, %add3A_269 : i32
    %dma_start3A_271 = arith.constant 0 : i32
    %dma_start3A_272 = tpu.memref_slice %arg3[%dma_start3A_271, %add3A_270] : memref<32x1000000xf32, #tpu.memory_space<hbm>> -> memref<32x1024xf32, #tpu.memory_space<hbm>>
    %dma_start3A_273 = arith.constant 0 : i32
    %dma_start3A_274 = tpu.memref_slice %arg3[%dma_start3A_273, %add3A_270] : memref<32x1000000xf32, #tpu.memory_space<hbm>> -> memref<32x1024xf32, #tpu.memory_space<hbm>>
    tpu.enqueue_dma source(%dma_start3A_274 : memref<32x1024xf32, #tpu.memory_space<hbm>>) target(%arg6 : memref<32x1024xf32, #tpu.memory_space<vmem>>) target_semaphore(%arg8 : memref<!tpu.dma_semaphore, #tpu.memory_space<semaphore_mem>>)
    %dma_wait3A_275 = arith.constant 0 : i32
    %dma_wait3A_276 = tpu.memref_slice %arg3[%dma_wait3A_275, %add3A_260] : memref<32x1000000xf32, #tpu.memory_space<hbm>> -> memref<32x1024xf32, #tpu.memory_space<hbm>>
    %dma_wait3A_277 = arith.constant 0 : i32
    %dma_wait3A_278 = tpu.memref_slice %arg3[%dma_wait3A_277, %add3A_260] : memref<32x1000000xf32, #tpu.memory_space<hbm>> -> memref<32x1024xf32, #tpu.memory_space<hbm>>
    tpu.wait_dma2 semaphore(%arg7 : memref<!tpu.dma_semaphore, #tpu.memory_space<semaphore_mem>>) src(%dma_wait3A_278 : memref<32x1024xf32, #tpu.memory_space<hbm>>) dst(%arg5 : memref<32x1024xf32, #tpu.memory_space<vmem>>)
    %add3A_279 = arith.constant 28672 : i32
    %add3A_280 = arith.addi %mul3A_2, %add3A_279 : i32
    %dma_start3A_281 = arith.constant 0 : i32
    %dma_start3A_282 = tpu.memref_slice %arg3[%dma_start3A_281, %add3A_280] : memref<32x1000000xf32, #tpu.memory_space<hbm>> -> memref<32x1024xf32, #tpu.memory_space<hbm>>
    %dma_start3A_283 = arith.constant 0 : i32
    %dma_start3A_284 = tpu.memref_slice %arg3[%dma_start3A_283, %add3A_280] : memref<32x1000000xf32, #tpu.memory_space<hbm>> -> memref<32x1024xf32, #tpu.memory_space<hbm>>
    tpu.enqueue_dma source(%dma_start3A_284 : memref<32x1024xf32, #tpu.memory_space<hbm>>) target(%arg5 : memref<32x1024xf32, #tpu.memory_space<vmem>>) target_semaphore(%arg7 : memref<!tpu.dma_semaphore, #tpu.memory_space<semaphore_mem>>)
    %dma_wait3A_285 = arith.constant 0 : i32
    %dma_wait3A_286 = tpu.memref_slice %arg3[%dma_wait3A_285, %add3A_270] : memref<32x1000000xf32, #tpu.memory_space<hbm>> -> memref<32x1024xf32, #tpu.memory_space<hbm>>
    %dma_wait3A_287 = arith.constant 0 : i32
    %dma_wait3A_288 = tpu.memref_slice %arg3[%dma_wait3A_287, %add3A_270] : memref<32x1000000xf32, #tpu.memory_space<hbm>> -> memref<32x1024xf32, #tpu.memory_space<hbm>>
    tpu.wait_dma2 semaphore(%arg8 : memref<!tpu.dma_semaphore, #tpu.memory_space<semaphore_mem>>) src(%dma_wait3A_288 : memref<32x1024xf32, #tpu.memory_space<hbm>>) dst(%arg6 : memref<32x1024xf32, #tpu.memory_space<vmem>>)
    %add3A_289 = arith.constant 29696 : i32
    %add3A_290 = arith.addi %mul3A_2, %add3A_289 : i32
    %dma_start3A_291 = arith.constant 0 : i32
    %dma_start3A_292 = tpu.memref_slice %arg3[%dma_start3A_291, %add3A_290] : memref<32x1000000xf32, #tpu.memory_space<hbm>> -> memref<32x1024xf32, #tpu.memory_space<hbm>>
    %dma_start3A_293 = arith.constant 0 : i32
    %dma_start3A_294 = tpu.memref_slice %arg3[%dma_start3A_293, %add3A_290] : memref<32x1000000xf32, #tpu.memory_space<hbm>> -> memref<32x1024xf32, #tpu.memory_space<hbm>>
    tpu.enqueue_dma source(%dma_start3A_294 : memref<32x1024xf32, #tpu.memory_space<hbm>>) target(%arg6 : memref<32x1024xf32, #tpu.memory_space<vmem>>) target_semaphore(%arg8 : memref<!tpu.dma_semaphore, #tpu.memory_space<semaphore_mem>>)
    %dma_wait3A_295 = arith.constant 0 : i32
    %dma_wait3A_296 = tpu.memref_slice %arg3[%dma_wait3A_295, %add3A_280] : memref<32x1000000xf32, #tpu.memory_space<hbm>> -> memref<32x1024xf32, #tpu.memory_space<hbm>>
    %dma_wait3A_297 = arith.constant 0 : i32
    %dma_wait3A_298 = tpu.memref_slice %arg3[%dma_wait3A_297, %add3A_280] : memref<32x1000000xf32, #tpu.memory_space<hbm>> -> memref<32x1024xf32, #tpu.memory_space<hbm>>
    tpu.wait_dma2 semaphore(%arg7 : memref<!tpu.dma_semaphore, #tpu.memory_space<semaphore_mem>>) src(%dma_wait3A_298 : memref<32x1024xf32, #tpu.memory_space<hbm>>) dst(%arg5 : memref<32x1024xf32, #tpu.memory_space<vmem>>)
    %dma_wait3A_299 = arith.constant 0 : i32
    %dma_wait3A_300 = tpu.memref_slice %arg3[%dma_wait3A_299, %add3A_290] : memref<32x1000000xf32, #tpu.memory_space<hbm>> -> memref<32x1024xf32, #tpu.memory_space<hbm>>
    %dma_wait3A_301 = arith.constant 0 : i32
    %dma_wait3A_302 = tpu.memref_slice %arg3[%dma_wait3A_301, %add3A_290] : memref<32x1000000xf32, #tpu.memory_space<hbm>> -> memref<32x1024xf32, #tpu.memory_space<hbm>>
    tpu.wait_dma2 semaphore(%arg8 : memref<!tpu.dma_semaphore, #tpu.memory_space<semaphore_mem>>) src(%dma_wait3A_302 : memref<32x1024xf32, #tpu.memory_space<hbm>>) dst(%arg6 : memref<32x1024xf32, #tpu.memory_space<vmem>>)
    "tpu.region"() ({
      %run_scoped3A = tpu.sem_alloc : memref<!tpu.dma_semaphore, #tpu.memory_space<semaphore_mem>>
      %dma_start3A_303 = arith.constant 0 : i32
      %dma_start3A_304 = arith.constant 0 : i32
      %dma_start3A_305 = tpu.memref_slice %arg5[%dma_start3A_303, %dma_start3A_304] : memref<32x1024xf32, #tpu.memory_space<vmem>> -> memref<32x512xf32, #tpu.memory_space<vmem>>
      %dma_start3A_306 = arith.constant 0 : i32
      %dma_start3A_307 = tpu.memref_slice %arg4[%dma_start3A_306, %mul3A_4] : memref<32x16384xf32, #tpu.memory_space<hbm>> -> memref<32x512xf32, #tpu.memory_space<hbm>>
      %dma_start3A_308 = arith.constant 0 : i32
      %dma_start3A_309 = tpu.memref_slice %arg4[%dma_start3A_308, %mul3A_4] : memref<32x16384xf32, #tpu.memory_space<hbm>> -> memref<32x512xf32, #tpu.memory_space<hbm>>
      %dma_start3A_310 = arith.constant 0 : i32
      %dma_start3A_311 = arith.constant 0 : i32
      %dma_start3A_312 = tpu.memref_slice %arg5[%dma_start3A_310, %dma_start3A_311] : memref<32x1024xf32, #tpu.memory_space<vmem>> -> memref<32x512xf32, #tpu.memory_space<vmem>>
      tpu.enqueue_dma source(%dma_start3A_312 : memref<32x512xf32, #tpu.memory_space<vmem>>) target(%dma_start3A_309 : memref<32x512xf32, #tpu.memory_space<hbm>>) target_semaphore(%run_scoped3A : memref<!tpu.dma_semaphore, #tpu.memory_space<semaphore_mem>>)
      %dma_wait3A_313 = arith.constant 0 : i32
      %dma_wait3A_314 = arith.constant 0 : i32
      %dma_wait3A_315 = tpu.memref_slice %arg5[%dma_wait3A_313, %dma_wait3A_314] : memref<32x1024xf32, #tpu.memory_space<vmem>> -> memref<32x512xf32, #tpu.memory_space<vmem>>
      %dma_wait3A_316 = arith.constant 0 : i32
      %dma_wait3A_317 = tpu.memref_slice %arg4[%dma_wait3A_316, %mul3A_4] : memref<32x16384xf32, #tpu.memory_space<hbm>> -> memref<32x512xf32, #tpu.memory_space<hbm>>
      %dma_wait3A_318 = arith.constant 0 : i32
      %dma_wait3A_319 = tpu.memref_slice %arg4[%dma_wait3A_318, %mul3A_4] : memref<32x16384xf32, #tpu.memory_space<hbm>> -> memref<32x512xf32, #tpu.memory_space<hbm>>
      %dma_wait3A_320 = arith.constant 0 : i32
      %dma_wait3A_321 = arith.constant 0 : i32
      %dma_wait3A_322 = tpu.memref_slice %arg5[%dma_wait3A_320, %dma_wait3A_321] : memref<32x1024xf32, #tpu.memory_space<vmem>> -> memref<32x512xf32, #tpu.memory_space<vmem>>
      tpu.wait_dma2 semaphore(%run_scoped3A : memref<!tpu.dma_semaphore, #tpu.memory_space<semaphore_mem>>) src(%dma_wait3A_322 : memref<32x512xf32, #tpu.memory_space<vmem>>) dst(%dma_wait3A_319 : memref<32x512xf32, #tpu.memory_space<hbm>>)
      tpu.yield
    }) : () -> ()
    return
  }
}

</mosaic_0001>

<sc_bundles>
// kernel: kernel.4.cloned.1.call-start
scs
__scs_entry_jumppad:
0x0: {  	(pc) =	sbr.rel $0x88, $3  }
0x1: {  	(tag) =	ssettag $0x0;
	lr =	simm.s32 $0x1  }
0x2: {  	[smem:$0x3F9D] =	sst lr;
	_ =	strace $0xD0000000  }
0x3: {  	_ = 	snop  }
0x4: {  	_ = 	snop  }
0x5: {  	_ = 	snop  }
0x6: {  	_ = 	snop  }
0x7: {  	_ = 	snop  }
__scs_overlays_trampoline_lowered:
0x8: {  	[smem:$0x3FAC] =	sst s0  }
0x9: {  	[smem:$0x3FAD] =	sst s1  }
0xa: {  	[smem:$0x3FAE] =	sst s2  }
0xb: {  	[smem:$0x3FAF] =	sst s3  }
0xc: {  	[smem:$0x3FB0] =	sst s4  }
0xd: {  	[smem:$0x3FB1] =	sst s5  }
0xe: {  	[smem:$0x3FB2] =	sst s6  }
0xf: {  	[smem:$0x3FB3] =	sst s7  }
0x10: {  	[smem:$0x3FB4] =	sst s8  }
0x11: {  	[smem:$0x3FB5] =	sst s9;
	s0 =	simm.s32 @!p0 $0x0  }
0x12: {  	s1 =	sld [smem:$0x3F9B];
	s0 =	simm.s32 @p0 $0x1  }
0x13: {  	[smem:$0x3FB6] =	sst s0;
	s0 =	simm.s32 @!p1 $0x0  }
0x14: {  	s2 =	sld [smem:$0x3F9A];
	s0 =	simm.s32 @p1 $0x1  }
0x15: {  	[smem:$0x3FB7] =	sst s0;
	s0 =	simm.s32 @!p2 $0x0  }
0x16: {  	s3 =	sld [smem:$0x3FDB];
	s0 =	simm.s32 @p2 $0x1  }
0x17: {  	s4 =	simm.s32 $0x1BF5;
	[smem:$0x3FB9] =	sst s0  }
0x18: {  	s0 =	sld [smem:$0x3F9C];
	_ =	swait.ge [sflag:s4], $0x0  }
0x19: {  	s7 =	sld [smem:$0x3F9D]  }
0x1a: {  	s8 =	sadd.s32 $0xFFFFE003, lr  }
0x1b: {  	s9 =	sadd.s32 $0xFFFFFEF7, lr;
	s5 =	simm.s32 $0xFFFFFFFF;
	p2 =	slt.u32 s8, $0xFFFFF086  }
0x1c: {  	p1 =	slt.u32 s9, $0xF7A;
	s5 =	simm.s32 @!p2 $0x0  }
0x1d: {  	s5 =	simm.s32 @p1 $0x1;
	p0 =	seq.s32 s7, s2  }
0x1e: {  	s7 =	smul.u32 @!p0 $0xF7A, s2;
	p2 =	seq.s32 @!p0 s5, $0x0  }
0x1f: {  	s9 =	smul.u32 $0xF7A, s1;
	s8 =	simm.s32 @!p0 $0x1BF5;
	p2 =	por !p2, p0  }
0x20: {  	[sflag:s8] =	ssyncset.s32 @!p0 $0xFFFFF086;
	s6 =	sadd.s32 @!p0 s3, s7;
	s7 =	simm.s32 @!p0 $0x108  }
0x21: {  	s3 =	sadd.s32 s3, s9;
	s6 =	sadd.s32 @!p0 $0x88, s6;
	s7 =	simm.s32 @p2 $0x1082  }
0x22: {  	[simem:s7], [sflag:s8] =	dma.local @!p0 [hbm:s6], $0xF7A  }
0x23: {  	s9 =	sor.u32 $0xD0000000, s2;
	s6 =	simm.s32 $0x108;
	_ =	swait.ge @!p0 [sflag:s8], $0x0  }
0x24: {  	s3 =	sadd.s32 $0x88, s3;
	s6 =	simm.s32 @!p1 $0x1082;
	[sflag:s4] =	ssyncset.s32 $0xFFFFF086  }
0x25: {  	[simem:s6], [sflag:s4] =	dma.local [hbm:s3], $0xF7A  }
0x26: {  	[smem:$0x3F9D] =	sst s1;
	(tag) =	ssettag s2;
	_ =	strace s9  }
0x27: {  	s1 =	sld [smem:$0x3FAD]  }
0x28: {  	s2 =	sld [smem:$0x3FAE]  }
0x29: {  	s4 =	sld [smem:$0x3FB0]  }
0x2a: {  	p0 =	seq.s32 s5, $0x0;
	s5 =	sld [smem:$0x3FB1]  }
0x2b: {  	s6 =	sld [smem:$0x3FB2]  }
0x2c: {  	s7 =	sld [smem:$0x3FB3]  }
0x2d: {  	s3 =	simm.s32 $0x108;
	s8 =	sld [smem:$0x3FB4]  }
0x2e: {  	s3 =	simm.s32 @!p0 $0x1082;
	s9 =	sld [smem:$0x3FB5]  }
0x2f: {  	lr =	sadd.s32 s0, s3;
	s0 =	sld [smem:$0x3FAC]  }
0x30: {  	s3 =	sld [smem:$0x3FAF]  }
0x31: {  	[smem:$0x3FB8] =	sst s10  }
0x32: {  	s10 =	sld [smem:$0x3FB6];
	_ =	sdelay $0x3  }
0x33: {  	p0 =	seq.s32 s10, $0x1;
	s10 =	sld [smem:$0x3FB8];
	_ =	sdelay $0x3  }
0x34: {  	[smem:$0x3FB8] =	sst s10  }
0x35: {  	s10 =	sld [smem:$0x3FB7];
	_ =	sdelay $0x3  }
0x36: {  	p1 =	seq.s32 s10, $0x1;
	s10 =	sld [smem:$0x3FB8];
	_ =	sdelay $0x3  }
0x37: {  	[smem:$0x3FB8] =	sst s10  }
0x38: {  	s10 =	sld [smem:$0x3FB9]  }
0x39: {  	_ = 	snop;
	(pc) =	sbr.ind lr, $3  }
0x3a: {  	_ = 	snop  }
0x3b: {  	_ = 	snop  }
0x3c: {  	p2 =	seq.s32 s10, $0x1;
	s10 =	sld [smem:$0x3FB8]  }
0x3d: {  	_ =	shalt  }
0x3e: {  	_ =	shalt  }
0x3f: {  	_ =	shalt  }
0x40: {  	_ =	shalt  }
0x41: {  	_ =	shalt  }
0x42: {  	_ =	shalt  }
0x43: {  	_ =	shalt  }
0x44: {  	_ =	shalt  }
0x45: {  	_ =	shalt  }
0x46: {  	_ =	shalt  }
0x47: {  	_ =	shalt  }
0x48: {  	_ =	shalt  }
0x49: {  	_ =	shalt  }
0x4a: {  	_ =	shalt  }
0x4b: {  	_ =	shalt  }
0x4c: {  	_ =	shalt  }
0x4d: {  	_ =	shalt  }
0x4e: {  	_ =	shalt  }
0x4f: {  	_ =	shalt  }
0x50: {  	_ =	shalt  }
0x51: {  	_ =	shalt  }
0x52: {  	_ =	shalt  }
0x53: {  	_ =	shalt  }
0x54: {  	_ =	shalt  }
0x55: {  	_ =	shalt  }
0x56: {  	_ =	shalt  }
0x57: {  	_ =	shalt  }
0x58: {  	_ =	shalt  }
0x59: {  	_ =	shalt  }
0x5a: {  	_ =	shalt  }
0x5b: {  	_ =	shalt  }
0x5c: {  	_ =	shalt  }
0x5d: {  	_ =	shalt  }
0x5e: {  	_ =	shalt  }
0x5f: {  	_ =	shalt  }
0x60: {  	_ =	shalt  }
0x61: {  	_ =	shalt  }
0x62: {  	_ =	shalt  }
0x63: {  	_ =	shalt  }
0x64: {  	_ =	shalt  }
0x65: {  	_ =	shalt  }
0x66: {  	_ =	shalt  }
0x67: {  	_ =	shalt  }
0x68: {  	_ =	shalt  }
0x69: {  	_ =	shalt  }
0x6a: {  	_ =	shalt  }
0x6b: {  	_ =	shalt  }
0x6c: {  	_ =	shalt  }
0x6d: {  	_ =	shalt  }
0x6e: {  	_ =	shalt  }
0x6f: {  	_ =	shalt  }
0x70: {  	_ =	shalt  }
0x71: {  	_ =	shalt  }
0x72: {  	_ =	shalt  }
0x73: {  	_ =	shalt  }
0x74: {  	_ =	shalt  }
0x75: {  	_ =	shalt  }
0x76: {  	_ =	shalt  }
0x77: {  	_ =	shalt  }
0x78: {  	_ =	shalt  }
0x79: {  	_ =	shalt  }
0x7a: {  	_ =	shalt  }
0x7b: {  	_ =	shalt  }
0x7c: {  	_ =	shalt  }
0x7d: {  	_ =	shalt  }
0x7e: {  	_ =	shalt  }
0x7f: {  	_ =	shalt  }
0x80: {  	_ =	shalt  }
0x81: {  	_ =	shalt  }
0x82: {  	_ =	shalt  }
0x83: {  	_ =	shalt  }
0x84: {  	_ =	shalt  }
0x85: {  	_ =	shalt  }
0x86: {  	_ =	shalt  }
0x87: {  	_ =	shalt  }
.Lfunc_end0:
.L_simem_size_0:
called_computation_lowered:
.L_overlay_start_0:
0x88: {  	s2 =	sld [smem:$0x3FD9]  }
0x89: {  	s3 =	sld [smem:$0x3FFE];
	_ =	sdelay $0x1  }
0x8a: {  	s1 =	srdreg.scid  }
0x8b: {  	s0 =	sand.u32 $0x1, s1  }
0x8c: {  	s15 =	sshll.u32 s0, $0xA;
	s2 =	sadd.s32 s3, s2  }
0x8d: {  	s2 =	sadd.s32 s2, s15  }
0x8e: {  	[smem:$0x3FC4] =	sst s2  }
0x8f: {  	_ = 	snop  }
0x90: {  	s2 =	sld [smem:$0x3FD0];
	_ =	sdelay $0x2  }
0x91: {  	s4 =	simm.s32 $0xB;
	s5 =	simm.s32 $0x10;
	s16 =	sld [smem:$0x3FC7]  }
0x92: {  	[smem:s5], [sflag:s4] =	dma.local [hbm:s2], $0x1  }
0x93: {  	_ =	swait.eq [sflag:s4], $0x1  }
0x94: {  	[sflag:s4] =	ssyncset.done $0x0  }
0x95: {  	[sflag:s4] =	ssyncadd.s32 $0xFFFFFFFF  }
0x96: {  	s17 =	sld [smem:$0x10];
	(tm) =	ssettm $0x1  }
0x97: {  	s18 =	sld [smem:$0x3FFB];
	_ =	sdelay $0x3  }
0x98: {  	_ =	strace s18  }
0x99: {  	s4 =	sld [smem:$0x3FFC];
	_ =	sdelay $0x3  }
0x9a: {  	_ =	strace s4  }
0x9b: {  	s4 =	sld [smem:$0x3FFD];
	_ =	sdelay $0x3  }
0x9c: {  	_ =	strace s4  }
0x9d: {  	_ =	strace $0x8FFFFFFF  }
0x9e: {  	s19 =	sld [smem:$0x3FDB];
	_ =	sdelay $0x1  }
0x9f: {  	s20 =	simm.s32 $_scs_section_size  }
0xa0: {  	s6 =	simm.s32 $_size__tile_overlayer_lowered;
	s7 =	simm.s32 $_tile_overlayer_lowered  }
0xa1: {  	s23 =	simm.s32 $0x1BFF;
	s22 =	sshll.u32 s7, $0x1;
	s4 =	sadd.s32 s20, s19  }
0xa2: {  	s8 =	simm.s32 $0x0;
	s21 =	sshll.u32 s6, $0x1;
	s6 =	sadd.s32 s22, s4  }
0xa3: {  	[timem:s8], [sflag:s23] =	dma.local [hbm:s6], s21  }
0xa4: {  	_ =	swait.ge [sflag:s23], s21  }
0xa5: {  	s5 =	ssub.s32 $0x0, s21;
	[sflag:s23] =	ssyncset.done $0x0  }
0xa6: {  	[sflag:s23] =	ssyncadd.s32 s5;
	_ =	sdelay $0x1  }
0xa7: {  	s24 =	simm.s32 $0x1B8B  }
0xa8: {  	_ =	swait.ge [sflag:s24], $0x1  }
0xa9: {  	[sflag:s24] =	ssyncset.done $0x0  }
0xaa: {  	s25 =	simm.s32 $0x1B8E;
	[sflag:s24] =	ssyncadd.s32 $0xFFFFFFFF  }
0xab: {  	s26 =	simm.s32 $execute0_lowered;
	[smem:$0x3FD2] =	sst s25  }
0xac: {  	s5 =	sshll.u32 s26, $0x1;
	_ =	strace $0x80000046;
	[dreg:$0x1] =	wrdreg $0xFFFFFFFF  }
0xad: {  	s28 =	simm.s32 $_size_execute0_lowered;
	s4 =	sadd.s32 s4, s5;
	[dreg:$0x0] =	wrdreg $0x0  }
0xae: {  	s5 =	sshll.u32 s28, $0x1;
	[dreg:$0x2] =	wrdreg s4  }
0xaf: {  	[dreg:$0x3] =	wrdreg s5  }
0xb0: {  	[dreg:$0x4] =	wrdreg $0xC0  }
0xb1: {  	_ =	task [dreg:s8], $0x5FFFF  }
0xb2: {  	[dreg:$0x1] =	wrdreg $0xFFFFFFFF  }
0xb3: {  	[dreg:$0x0] =	wrdreg $0x60  }
0xb4: {  	[dreg:$0x2] =	wrdreg s16  }
0xb5: {  	[dreg:$0x3] =	wrdreg s17  }
0xb6: {  	[dreg:$0x4] =	wrdreg $0x9  }
0xb7: {  	_ =	task.clear_ibuf [dreg:s8], $0x5FFFF;
	_ =	strace $0x90000046  }
0xb8: {  	s29 =	simm.s32 $0x9;
	_ =	strace $0x80000048  }
0xb9: {  	_ =	swait.ge [sflag:s29], $0x1  }
0xba: {  	[sflag:s29] =	ssyncadd.s32 $0xFFFFFFFF  }
0xbb: {  	_ =	strace $0x90000048  }
0xbc: {  	_ =	sfence  }
0xbd: {  	s30 =	sld [smem:$0x0];
	_ =	sdelay $0x2  }
0xbe: {  	s31 =	sshll.u32 s1, $0xD;
	s1 =	sshrl.u32 s1, $0x2  }
0xbf: {  	s3 =	sand.u32 $0x4000, s31;
	s1 =	sadd.s32 s1, s30  }
0xc0: {  	s0 =	sor.u32 s3, s0;
	s1 =	sshll.u32 s1, $0x11  }
0xc1: {  	s0 =	sor.u32 s1, s0  }
0xc2: {  	s0 =	sadd.s32 $0x8F2B, s0  }
0xc3: {  	[sflag:s0] =	ssyncadd.remote.s32 $0x1  }
0xc4: {  	_ =	sfence.sel $0xFFFF  }
0xc5: {  	[dreg:$0x0] =	wrdreg $0xFFFFFFFF;
	(pc) =	sbr.abs _section_cstart, $3  }
0xc6: {  	[dreg:$0x1] =	wrdreg $0xFFFFFFFF  }
0xc7: {  	_ =	task.clear_ibuf [dreg:s8], $0x2FFFF;
	_ =	strace $0x9FFFFFFF  }
0xc8: {  	(tm) =	ssettm $0x7FFFFFFF  }
0xc9: {  	_ =	shalt  }
tec
execute0_lowered:
.L_overlay_start_1:
0x0: {  	(tag) =	ssettag $0x1  }
0x1: {  	s1 =	srdreg.scid  }
0x2: {  	s29 =	stileid.u32;
	s3 =	rddreg [dreg:$0x0]  }
0x3: {  	s5 =	rddreg [dreg:$0x1];
	s1 =	sand.u32 $0x1, s1;
	s2 =	sshll.u32 s29, $0x1  }
0x4: {  	s30 =	rddreg [dreg:$0x2];
	s4 =	sor.u32 s1, s2  }
0x5: {  	s12 =	simm.s32 $0x7A1400;
	s14 =	simm.s32 $0x8000;
	s6 =	smul.u32 $0x3D000, s4  }
0x6: {  	s11 =	simm.s32 $0x1;
	s9 =	simm.s32 $0x2;
	s7 =	smul.u32 $0x7A00, s4  }
0x7: {  	p0 =	por $0x0, $0x0;
	s2 =	simm.s32 $0x0;
	s6 =	sshrl.u32 s6, $0x3  }
0x8: {  	[smem:$0x7FF] =	sst s2;
	s7 =	sadd.s32 s3, s7;
	s3 =	sadd.s32 s3, s6  }
0x9: {  	_ =	strace $0x80000047;
	[dreg:$0x3] =	wrdreg s7;
	s6 =	sadd.s32 $0x400, s3  }
0xa: {  	s8 =	simm.s32 $0x4000;
	s15 =	sadd.s32 $0x800, s3;
	[dreg:$0x4] =	wrdreg s6  }
0xb: {  	s1 =	ssub.s32 $0x2, s1;
	s16 =	sadd.s32 $0xC00, s3;
	[dreg:$0x5] =	wrdreg s15  }
0xc: {  	s26 =	sshrl.u32 s1, $0x1;
	s17 =	sadd.s32 $0x1000, s3;
	[dreg:$0x6] =	wrdreg s16  }
0xd: {  	s4 =	sshll.u32 s4, $0x9;
	s18 =	sadd.s32 $0x1400, s3;
	[dreg:$0x7] =	wrdreg s17  }
0xe: {  	s1 =	ssub.s32 s1, s26;
	s19 =	sadd.s32 $0x1800, s3;
	[dreg:$0x8] =	wrdreg s18  }
0xf: {  	s1 =	smax.u32 s1, $0x1;
	s20 =	sadd.s32 $0x1C00, s3;
	[dreg:$0x9] =	wrdreg s19  }
0x10: {  	p1 =	sne.s32 s1, $0x1;
	s21 =	sadd.s32 $0x2000, s3;
	[dreg:$0xa] =	wrdreg s20  }
0x11: {  	s1 =	sadd.s32 $0xFFFFFFFF, s1;
	s22 =	sadd.s32 $0x2400, s3;
	[dreg:$0xb] =	wrdreg s21  }
0x12: {  	s23 =	sadd.s32 $0x2800, s3;
	s24 =	sadd.s32 $0x2C00, s3;
	[dreg:$0xc] =	wrdreg s22  }
0x13: {  	s25 =	sadd.s32 $0x3000, s3;
	s31 =	sadd.s32 $0x3400, s3;
	[dreg:$0xd] =	wrdreg s23  }
0x14: {  	s28 =	sadd.s32 $0x3800, s3;
	s26 =	sadd.s32 $0x3C00, s3;
	[dreg:$0xe] =	wrdreg s24  }
0x15: {  	s13 =	sadd.s32 $0x6C00, s3;
	s10 =	sadd.s32 $0x7000, s3;
	[dreg:$0xf] =	wrdreg s25  }
0x16: {  	s7 =	sadd.s32 $0x7400, s3;
	[dreg:$0x10] =	wrdreg s31;
	s25 =	sadd.s32 $0x4000, s3  }
.Ltmp0:
0x17: {  	s24 =	sadd.s32 $0x4400, s3;
	s23 =	sadd.s32 $0x4800, s3;
	(pc) =	sbr.rel @!p1 .LBB2_5-.Ltmp0, $4  }
0x18: {  	s22 =	sadd.s32 $0x4C00, s3;
	s21 =	sadd.s32 $0x5000, s3;
	s20 =	sadd.s32 $0x5400, s3  }
0x19: {  	s19 =	sadd.s32 $0x5800, s3;
	s18 =	sadd.s32 $0x5C00, s3;
	s17 =	sadd.s32 $0x6000, s3  }
0x1a: {  	s16 =	sadd.s32 $0x6400, s3;
	s15 =	sadd.s32 $0x6800, s3;
	s3 =	sadd.s32 s5, s4  }
0x1b: {  	s4 =	simm.s32 $0x2000;
	s6 =	simm.s32 $0x6000;
	s5 =	simm.s32 $0x3  }
0x1c: {  	s29 =	rddreg [dreg:$0x3]  }
0x1d: {  	[tilespmem:s2], [sflag:$0x1] =	stream.strided.gather [hbm4b:s29+s4], $0x8000, s12, s4, $0x38;
	[tilespmem:$0x10000] =	vst v63  }
0x1e: {  	s30 =	rddreg [dreg:$0x4]  }
0x1f: {  	[tilespmem:s14], [sflag:$0x2] =	stream.strided.gather [hbm4b:s30+s4], $0x8000, s12, s4, $0x38;
	[tilespmem:$0x10000] =	vst v63  }
0x20: {  	_ =	swait.ge [sflag:s11], $0x8000  }
0x21: {  	[sflag:s11] =	ssyncset.done $0x0  }
0x22: {  	s29 =	rddreg [dreg:$0x5];
	[sflag:s11] =	ssyncadd.s32 $0xFFFF8000  }
0x23: {  	[tilespmem:s2], [sflag:$0x1] =	stream.strided.gather [hbm4b:s29+s4], $0x8000, s12, s4, $0x38;
	[tilespmem:$0x10000] =	vst v63  }
0x24: {  	_ =	swait.ge [sflag:s9], $0x8000  }
0x25: {  	[sflag:s9] =	ssyncset.done $0x0  }
0x26: {  	s29 =	rddreg [dreg:$0x6];
	[sflag:s9] =	ssyncadd.s32 $0xFFFF8000  }
0x27: {  	[tilespmem:s14], [sflag:$0x2] =	stream.strided.gather [hbm4b:s29+s4], $0x8000, s12, s4, $0x38;
	[tilespmem:$0x10000] =	vst v63  }
0x28: {  	_ =	swait.ge [sflag:s11], $0x8000  }
0x29: {  	[sflag:s11] =	ssyncset.done $0x0  }
0x2a: {  	s29 =	rddreg [dreg:$0x7];
	[sflag:s11] =	ssyncadd.s32 $0xFFFF8000  }
0x2b: {  	[tilespmem:s2], [sflag:$0x1] =	stream.strided.gather [hbm4b:s29+s4], $0x8000, s12, s4, $0x38;
	[tilespmem:$0x10000] =	vst v63  }
0x2c: {  	_ =	swait.ge [sflag:s9], $0x8000  }
0x2d: {  	[sflag:s9] =	ssyncset.done $0x0  }
0x2e: {  	s29 =	rddreg [dreg:$0x8];
	[sflag:s9] =	ssyncadd.s32 $0xFFFF8000  }
0x2f: {  	[tilespmem:s14], [sflag:$0x2] =	stream.strided.gather [hbm4b:s29+s4], $0x8000, s12, s4, $0x38;
	[tilespmem:$0x10000] =	vst v63  }
0x30: {  	_ =	swait.ge [sflag:s11], $0x8000  }
0x31: {  	[sflag:s11] =	ssyncset.done $0x0  }
0x32: {  	s29 =	rddreg [dreg:$0x9];
	[sflag:s11] =	ssyncadd.s32 $0xFFFF8000  }
0x33: {  	[tilespmem:s2], [sflag:$0x1] =	stream.strided.gather [hbm4b:s29+s4], $0x8000, s12, s4, $0x38;
	[tilespmem:$0x10000] =	vst v63  }
0x34: {  	_ =	swait.ge [sflag:s9], $0x8000  }
0x35: {  	[sflag:s9] =	ssyncset.done $0x0  }
0x36: {  	s29 =	rddreg [dreg:$0xa];
	[sflag:s9] =	ssyncadd.s32 $0xFFFF8000  }
0x37: {  	[tilespmem:s14], [sflag:$0x2] =	stream.strided.gather [hbm4b:s29+s4], $0x8000, s12, s4, $0x38;
	[tilespmem:$0x10000] =	vst v63  }
0x38: {  	_ =	swait.ge [sflag:s11], $0x8000  }
0x39: {  	[sflag:s11] =	ssyncset.done $0x0  }
0x3a: {  	s29 =	rddreg [dreg:$0xb];
	[sflag:s11] =	ssyncadd.s32 $0xFFFF8000  }
0x3b: {  	[tilespmem:s2], [sflag:$0x1] =	stream.strided.gather [hbm4b:s29+s4], $0x8000, s12, s4, $0x38;
	[tilespmem:$0x10000] =	vst v63  }
0x3c: {  	_ =	swait.ge [sflag:s9], $0x8000  }
0x3d: {  	[sflag:s9] =	ssyncset.done $0x0  }
0x3e: {  	s29 =	rddreg [dreg:$0xc];
	[sflag:s9] =	ssyncadd.s32 $0xFFFF8000  }
0x3f: {  	[tilespmem:s14], [sflag:$0x2] =	stream.strided.gather [hbm4b:s29+s4], $0x8000, s12, s4, $0x38;
	[tilespmem:$0x10000] =	vst v63  }
0x40: {  	_ =	swait.ge [sflag:s11], $0x8000  }
0x41: {  	[sflag:s11] =	ssyncset.done $0x0  }
0x42: {  	s29 =	rddreg [dreg:$0xd];
	[sflag:s11] =	ssyncadd.s32 $0xFFFF8000  }
0x43: {  	[tilespmem:s2], [sflag:$0x1] =	stream.strided.gather [hbm4b:s29+s4], $0x8000, s12, s4, $0x38;
	[tilespmem:$0x10000] =	vst v63  }
0x44: {  	_ =	swait.ge [sflag:s9], $0x8000  }
0x45: {  	[sflag:s9] =	ssyncset.done $0x0  }
0x46: {  	s29 =	rddreg [dreg:$0xe];
	[sflag:s9] =	ssyncadd.s32 $0xFFFF8000  }
0x47: {  	[tilespmem:s14], [sflag:$0x2] =	stream.strided.gather [hbm4b:s29+s4], $0x8000, s12, s4, $0x38;
	[tilespmem:$0x10000] =	vst v63  }
0x48: {  	_ =	swait.ge [sflag:s11], $0x8000  }
0x49: {  	[sflag:s11] =	ssyncset.done $0x0  }
0x4a: {  	s29 =	rddreg [dreg:$0xf];
	[sflag:s11] =	ssyncadd.s32 $0xFFFF8000  }
0x4b: {  	[tilespmem:s2], [sflag:$0x1] =	stream.strided.gather [hbm4b:s29+s4], $0x8000, s12, s4, $0x38;
	[tilespmem:$0x10000] =	vst v63  }
0x4c: {  	_ =	swait.ge [sflag:s9], $0x8000  }
0x4d: {  	[sflag:s9] =	ssyncset.done $0x0  }
0x4e: {  	s29 =	rddreg [dreg:$0x10];
	[sflag:s9] =	ssyncadd.s32 $0xFFFF8000  }
0x4f: {  	[tilespmem:s14], [sflag:$0x2] =	stream.strided.gather [hbm4b:s29+s4], $0x8000, s12, s4, $0x38;
	[tilespmem:$0x10000] =	vst v63  }
0x50: {  	_ =	swait.ge [sflag:s11], $0x8000  }
0x51: {  	[sflag:s11] =	ssyncset.done $0x0  }
0x52: {  	[sflag:s11] =	ssyncadd.s32 $0xFFFF8000  }
0x53: {  	[tilespmem:s2], [sflag:$0x1] =	stream.strided.gather [hbm4b:s28+s4], $0x8000, s12, s4, $0x38;
	[tilespmem:$0x10000] =	vst v63  }
0x54: {  	_ =	swait.ge [sflag:s9], $0x8000  }
0x55: {  	[sflag:s9] =	ssyncset.done $0x0  }
0x56: {  	[sflag:s9] =	ssyncadd.s32 $0xFFFF8000  }
0x57: {  	[tilespmem:s14], [sflag:$0x2] =	stream.strided.gather [hbm4b:s26+s4], $0x8000, s12, s4, $0x38;
	[tilespmem:$0x10000] =	vst v63  }
0x58: {  	_ =	swait.ge [sflag:s11], $0x8000  }
0x59: {  	[sflag:s11] =	ssyncset.done $0x0  }
0x5a: {  	[sflag:s11] =	ssyncadd.s32 $0xFFFF8000  }
0x5b: {  	[tilespmem:s2], [sflag:$0x1] =	stream.strided.gather [hbm4b:s25+s4], $0x8000, s12, s4, $0x38;
	[tilespmem:$0x10000] =	vst v63  }
0x5c: {  	_ =	swait.ge [sflag:s9], $0x8000  }
0x5d: {  	[sflag:s9] =	ssyncset.done $0x0  }
0x5e: {  	[sflag:s9] =	ssyncadd.s32 $0xFFFF8000  }
0x5f: {  	[tilespmem:s14], [sflag:$0x2] =	stream.strided.gather [hbm4b:s24+s4], $0x8000, s12, s4, $0x38;
	[tilespmem:$0x10000] =	vst v63  }
0x60: {  	_ =	swait.ge [sflag:s11], $0x8000  }
0x61: {  	[sflag:s11] =	ssyncset.done $0x0  }
0x62: {  	[sflag:s11] =	ssyncadd.s32 $0xFFFF8000  }
0x63: {  	[tilespmem:s2], [sflag:$0x1] =	stream.strided.gather [hbm4b:s23+s4], $0x8000, s12, s4, $0x38;
	[tilespmem:$0x10000] =	vst v63  }
0x64: {  	_ =	swait.ge [sflag:s9], $0x8000  }
0x65: {  	[sflag:s9] =	ssyncset.done $0x0  }
0x66: {  	[sflag:s9] =	ssyncadd.s32 $0xFFFF8000  }
0x67: {  	[tilespmem:s14], [sflag:$0x2] =	stream.strided.gather [hbm4b:s22+s4], $0x8000, s12, s4, $0x38;
	[tilespmem:$0x10000] =	vst v63  }
0x68: {  	_ =	swait.ge [sflag:s11], $0x8000  }
0x69: {  	[sflag:s11] =	ssyncset.done $0x0  }
0x6a: {  	[sflag:s11] =	ssyncadd.s32 $0xFFFF8000  }
0x6b: {  	[tilespmem:s2], [sflag:$0x1] =	stream.strided.gather [hbm4b:s21+s4], $0x8000, s12, s4, $0x38;
	[tilespmem:$0x10000] =	vst v63  }
0x6c: {  	_ =	swait.ge [sflag:s9], $0x8000  }
0x6d: {  	[sflag:s9] =	ssyncset.done $0x0  }
0x6e: {  	[sflag:s9] =	ssyncadd.s32 $0xFFFF8000  }
0x6f: {  	[tilespmem:s14], [sflag:$0x2] =	stream.strided.gather [hbm4b:s20+s4], $0x8000, s12, s4, $0x38;
	[tilespmem:$0x10000] =	vst v63  }
0x70: {  	_ =	swait.ge [sflag:s11], $0x8000  }
0x71: {  	[sflag:s11] =	ssyncset.done $0x0  }
0x72: {  	[sflag:s11] =	ssyncadd.s32 $0xFFFF8000  }
0x73: {  	[tilespmem:s2], [sflag:$0x1] =	stream.strided.gather [hbm4b:s19+s4], $0x8000, s12, s4, $0x38;
	[tilespmem:$0x10000] =	vst v63  }
0x74: {  	_ =	swait.ge [sflag:s9], $0x8000  }
0x75: {  	[sflag:s9] =	ssyncset.done $0x0  }
0x76: {  	[sflag:s9] =	ssyncadd.s32 $0xFFFF8000  }
0x77: {  	[tilespmem:s14], [sflag:$0x2] =	stream.strided.gather [hbm4b:s18+s4], $0x8000, s12, s4, $0x38;
	[tilespmem:$0x10000] =	vst v63  }
0x78: {  	_ =	swait.ge [sflag:s11], $0x8000  }
0x79: {  	[sflag:s11] =	ssyncset.done $0x0  }
0x7a: {  	[sflag:s11] =	ssyncadd.s32 $0xFFFF8000  }
0x7b: {  	[tilespmem:s2], [sflag:$0x1] =	stream.strided.gather [hbm4b:s17+s4], $0x8000, s12, s4, $0x38;
	[tilespmem:$0x10000] =	vst v63  }
0x7c: {  	_ =	swait.ge [sflag:s9], $0x8000  }
0x7d: {  	[sflag:s9] =	ssyncset.done $0x0  }
0x7e: {  	[sflag:s9] =	ssyncadd.s32 $0xFFFF8000  }
0x7f: {  	[tilespmem:s14], [sflag:$0x2] =	stream.strided.gather [hbm4b:s16+s4], $0x8000, s12, s4, $0x38;
	[tilespmem:$0x10000] =	vst v63  }
0x80: {  	_ =	swait.ge [sflag:s11], $0x8000  }
0x81: {  	[sflag:s11] =	ssyncset.done $0x0  }
0x82: {  	[sflag:s11] =	ssyncadd.s32 $0xFFFF8000  }
0x83: {  	[tilespmem:s2], [sflag:$0x1] =	stream.strided.gather [hbm4b:s15+s4], $0x8000, s12, s4, $0x38;
	[tilespmem:$0x10000] =	vst v63  }
0x84: {  	_ =	swait.ge [sflag:s9], $0x8000  }
0x85: {  	[sflag:s9] =	ssyncset.done $0x0  }
0x86: {  	[sflag:s9] =	ssyncadd.s32 $0xFFFF8000  }
0x87: {  	[tilespmem:s14], [sflag:$0x2] =	stream.strided.gather [hbm4b:s13+s4], $0x8000, s12, s4, $0x38;
	[tilespmem:$0x10000] =	vst v63  }
0x88: {  	_ =	swait.ge [sflag:s11], $0x8000  }
0x89: {  	[sflag:s11] =	ssyncset.done $0x0  }
0x8a: {  	[sflag:s11] =	ssyncadd.s32 $0xFFFF8000  }
0x8b: {  	[tilespmem:s2], [sflag:$0x1] =	stream.strided.gather [hbm4b:s10+s4], $0x8000, s12, s4, $0x38;
	[tilespmem:$0x10000] =	vst v63  }
0x8c: {  	_ =	swait.ge [sflag:s9], $0x8000  }
0x8d: {  	[sflag:s9] =	ssyncset.done $0x0  }
0x8e: {  	[sflag:s9] =	ssyncadd.s32 $0xFFFF8000  }
0x8f: {  	[tilespmem:s14], [sflag:$0x2] =	stream.strided.gather [hbm4b:s7+s4], $0x8000, s12, s4, $0x38;
	[tilespmem:$0x10000] =	vst v63  }
0x90: {  	_ =	swait.ge [sflag:s11], $0x8000  }
0x91: {  	[sflag:s11] =	ssyncset.done $0x0  }
0x92: {  	[sflag:s11] =	ssyncadd.s32 $0xFFFF8000  }
0x93: {  	_ =	swait.ge [sflag:s9], $0x8000  }
0x94: {  	[sflag:s9] =	ssyncset.done $0x0  }
0x95: {  	[sflag:s9] =	ssyncadd.s32 $0xFFFF8000  }
0x96: {  	[hbm4b:s3+s2] =	stream.linear.scatter [tilespmem:s2], [sflag:$0x3], $0x1000, $0x38;
	[tilespmem:$0x10000] =	vst v63  }
0x97: {  	s29 =	sadd.s32 $0x4000, s3  }
0x98: {  	[hbm4b:s29+s2] =	stream.linear.scatter [tilespmem:s4], [sflag:$0x3], $0x1000, $0x38;
	[tilespmem:$0x10000] =	vst v63  }
0x99: {  	p1 =	sne.s32 s1, $0x1;
	s30 =	sadd.s32 $0x8000, s3  }
0x9a: {  	[hbm4b:s30+s2] =	stream.linear.scatter [tilespmem:s8], [sflag:$0x3], $0x1000, $0x38;
	[tilespmem:$0x10000] =	vst v63  }
.Ltmp1:
0x9b: {  	_ = 	snop;
	(pc) =	sbr.rel @!p1 .LBB2_2-.Ltmp1, $4  }
0x9c: {  	s31 =	sadd.s32 $0xC000, s3  }
0x9d: {  	[hbm4b:s31+s2] =	stream.linear.scatter [tilespmem:s6], [sflag:$0x3], $0x1000, $0x38;
	[tilespmem:$0x10000] =	vst v63  }
0x9e: {  	_ =	swait.ge [sflag:s5], $0x4000  }
0x9f: {  	s1 =	sadd.s32 $0xFFFFFFFF, s1;
	p0 =	por $0x1, $0x1;
	[sflag:s5] =	ssyncset.done $0x0  }
.LBB2_3:
0xa0: {  	s0 =	rddreg [dreg:$0x3];
	[sflag:s5] =	ssyncadd.s32 $0xFFFFC000  }
0xa1: {  	[tilespmem:s2], [sflag:$0x1] =	stream.strided.gather [hbm4b:s0+s4], $0x8000, s12, s4, $0x38;
	[tilespmem:$0x10000] =	vst v63  }
0xa2: {  	s6 =	rddreg [dreg:$0x4]  }
0xa3: {  	[tilespmem:s14], [sflag:$0x2] =	stream.strided.gather [hbm4b:s6+s4], $0x8000, s12, s4, $0x38;
	[tilespmem:$0x10000] =	vst v63  }
0xa4: {  	_ =	swait.ge [sflag:s11], $0x8000  }
0xa5: {  	[sflag:s11] =	ssyncset.done $0x0  }
0xa6: {  	s0 =	rddreg [dreg:$0x5];
	[sflag:s11] =	ssyncadd.s32 $0xFFFF8000  }
0xa7: {  	[tilespmem:s2], [sflag:$0x1] =	stream.strided.gather [hbm4b:s0+s4], $0x8000, s12, s4, $0x38;
	[tilespmem:$0x10000] =	vst v63  }
0xa8: {  	_ =	swait.ge [sflag:s9], $0x8000  }
0xa9: {  	[sflag:s9] =	ssyncset.done $0x0  }
0xaa: {  	s0 =	rddreg [dreg:$0x6];
	[sflag:s9] =	ssyncadd.s32 $0xFFFF8000  }
0xab: {  	[tilespmem:s14], [sflag:$0x2] =	stream.strided.gather [hbm4b:s0+s4], $0x8000, s12, s4, $0x38;
	[tilespmem:$0x10000] =	vst v63  }
0xac: {  	_ =	swait.ge [sflag:s11], $0x8000  }
0xad: {  	[sflag:s11] =	ssyncset.done $0x0  }
0xae: {  	s0 =	rddreg [dreg:$0x7];
	[sflag:s11] =	ssyncadd.s32 $0xFFFF8000  }
0xaf: {  	[tilespmem:s2], [sflag:$0x1] =	stream.strided.gather [hbm4b:s0+s4], $0x8000, s12, s4, $0x38;
	[tilespmem:$0x10000] =	vst v63  }
0xb0: {  	_ =	swait.ge [sflag:s9], $0x8000  }
0xb1: {  	[sflag:s9] =	ssyncset.done $0x0  }
0xb2: {  	s0 =	rddreg [dreg:$0x8];
	[sflag:s9] =	ssyncadd.s32 $0xFFFF8000  }
0xb3: {  	[tilespmem:s14], [sflag:$0x2] =	stream.strided.gather [hbm4b:s0+s4], $0x8000, s12, s4, $0x38;
	[tilespmem:$0x10000] =	vst v63  }
0xb4: {  	_ =	swait.ge [sflag:s11], $0x8000  }
0xb5: {  	[sflag:s11] =	ssyncset.done $0x0  }
0xb6: {  	s0 =	rddreg [dreg:$0x9];
	[sflag:s11] =	ssyncadd.s32 $0xFFFF8000  }
0xb7: {  	[tilespmem:s2], [sflag:$0x1] =	stream.strided.gather [hbm4b:s0+s4], $0x8000, s12, s4, $0x38;
	[tilespmem:$0x10000] =	vst v63  }
0xb8: {  	_ =	swait.ge [sflag:s9], $0x8000  }
0xb9: {  	[sflag:s9] =	ssyncset.done $0x0  }
0xba: {  	s0 =	rddreg [dreg:$0xa];
	[sflag:s9] =	ssyncadd.s32 $0xFFFF8000  }
0xbb: {  	[tilespmem:s14], [sflag:$0x2] =	stream.strided.gather [hbm4b:s0+s4], $0x8000, s12, s4, $0x38;
	[tilespmem:$0x10000] =	vst v63  }
0xbc: {  	_ =	swait.ge [sflag:s11], $0x8000  }
0xbd: {  	[sflag:s11] =	ssyncset.done $0x0  }
0xbe: {  	s0 =	rddreg [dreg:$0xb];
	[sflag:s11] =	ssyncadd.s32 $0xFFFF8000  }
0xbf: {  	[tilespmem:s2], [sflag:$0x1] =	stream.strided.gather [hbm4b:s0+s4], $0x8000, s12, s4, $0x38;
	[tilespmem:$0x10000] =	vst v63  }
0xc0: {  	_ =	swait.ge [sflag:s9], $0x8000  }
0xc1: {  	[sflag:s9] =	ssyncset.done $0x0  }
0xc2: {  	s0 =	rddreg [dreg:$0xc];
	[sflag:s9] =	ssyncadd.s32 $0xFFFF8000  }
0xc3: {  	[tilespmem:s14], [sflag:$0x2] =	stream.strided.gather [hbm4b:s0+s4], $0x8000, s12, s4, $0x38;
	[tilespmem:$0x10000] =	vst v63  }
0xc4: {  	_ =	swait.ge [sflag:s11], $0x8000  }
0xc5: {  	[sflag:s11] =	ssyncset.done $0x0  }
0xc6: {  	s0 =	rddreg [dreg:$0xd];
	[sflag:s11] =	ssyncadd.s32 $0xFFFF8000  }
0xc7: {  	[tilespmem:s2], [sflag:$0x1] =	stream.strided.gather [hbm4b:s0+s4], $0x8000, s12, s4, $0x38;
	[tilespmem:$0x10000] =	vst v63  }
0xc8: {  	_ =	swait.ge [sflag:s9], $0x8000  }
0xc9: {  	[sflag:s9] =	ssyncset.done $0x0  }
0xca: {  	s0 =	rddreg [dreg:$0xe];
	[sflag:s9] =	ssyncadd.s32 $0xFFFF8000  }
0xcb: {  	[tilespmem:s14], [sflag:$0x2] =	stream.strided.gather [hbm4b:s0+s4], $0x8000, s12, s4, $0x38;
	[tilespmem:$0x10000] =	vst v63  }
0xcc: {  	_ =	swait.ge [sflag:s11], $0x8000  }
0xcd: {  	[sflag:s11] =	ssyncset.done $0x0  }
0xce: {  	s0 =	rddreg [dreg:$0xf];
	[sflag:s11] =	ssyncadd.s32 $0xFFFF8000  }
0xcf: {  	[tilespmem:s2], [sflag:$0x1] =	stream.strided.gather [hbm4b:s0+s4], $0x8000, s12, s4, $0x38;
	[tilespmem:$0x10000] =	vst v63  }
0xd0: {  	_ =	swait.ge [sflag:s9], $0x8000  }
0xd1: {  	[sflag:s9] =	ssyncset.done $0x0  }
0xd2: {  	s0 =	rddreg [dreg:$0x10];
	[sflag:s9] =	ssyncadd.s32 $0xFFFF8000  }
0xd3: {  	[tilespmem:s14], [sflag:$0x2] =	stream.strided.gather [hbm4b:s0+s4], $0x8000, s12, s4, $0x38;
	[tilespmem:$0x10000] =	vst v63  }
0xd4: {  	_ =	swait.ge [sflag:s11], $0x8000  }
0xd5: {  	[sflag:s11] =	ssyncset.done $0x0  }
0xd6: {  	[sflag:s11] =	ssyncadd.s32 $0xFFFF8000  }
0xd7: {  	[tilespmem:s2], [sflag:$0x1] =	stream.strided.gather [hbm4b:s28+s4], $0x8000, s12, s4, $0x38;
	[tilespmem:$0x10000] =	vst v63  }
0xd8: {  	_ =	swait.ge [sflag:s9], $0x8000  }
0xd9: {  	[sflag:s9] =	ssyncset.done $0x0  }
0xda: {  	[sflag:s9] =	ssyncadd.s32 $0xFFFF8000  }
0xdb: {  	[tilespmem:s14], [sflag:$0x2] =	stream.strided.gather [hbm4b:s26+s4], $0x8000, s12, s4, $0x38;
	[tilespmem:$0x10000] =	vst v63  }
0xdc: {  	_ =	swait.ge [sflag:s11], $0x8000  }
0xdd: {  	[sflag:s11] =	ssyncset.done $0x0  }
0xde: {  	[sflag:s11] =	ssyncadd.s32 $0xFFFF8000  }
0xdf: {  	[tilespmem:s2], [sflag:$0x1] =	stream.strided.gather [hbm4b:s25+s4], $0x8000, s12, s4, $0x38;
	[tilespmem:$0x10000] =	vst v63  }
0xe0: {  	_ =	swait.ge [sflag:s9], $0x8000  }
0xe1: {  	[sflag:s9] =	ssyncset.done $0x0  }
0xe2: {  	[sflag:s9] =	ssyncadd.s32 $0xFFFF8000  }
0xe3: {  	[tilespmem:s14], [sflag:$0x2] =	stream.strided.gather [hbm4b:s24+s4], $0x8000, s12, s4, $0x38;
	[tilespmem:$0x10000] =	vst v63  }
0xe4: {  	_ =	swait.ge [sflag:s11], $0x8000  }
0xe5: {  	[sflag:s11] =	ssyncset.done $0x0  }
0xe6: {  	[sflag:s11] =	ssyncadd.s32 $0xFFFF8000  }
0xe7: {  	[tilespmem:s2], [sflag:$0x1] =	stream.strided.gather [hbm4b:s23+s4], $0x8000, s12, s4, $0x38;
	[tilespmem:$0x10000] =	vst v63  }
0xe8: {  	_ =	swait.ge [sflag:s9], $0x8000  }
0xe9: {  	[sflag:s9] =	ssyncset.done $0x0  }
0xea: {  	[sflag:s9] =	ssyncadd.s32 $0xFFFF8000  }
0xeb: {  	[tilespmem:s14], [sflag:$0x2] =	stream.strided.gather [hbm4b:s22+s4], $0x8000, s12, s4, $0x38;
	[tilespmem:$0x10000] =	vst v63  }
0xec: {  	_ =	swait.ge [sflag:s11], $0x8000  }
0xed: {  	[sflag:s11] =	ssyncset.done $0x0  }
0xee: {  	[sflag:s11] =	ssyncadd.s32 $0xFFFF8000  }
0xef: {  	[tilespmem:s2], [sflag:$0x1] =	stream.strided.gather [hbm4b:s21+s4], $0x8000, s12, s4, $0x38;
	[tilespmem:$0x10000] =	vst v63  }
0xf0: {  	_ =	swait.ge [sflag:s9], $0x8000  }
0xf1: {  	[sflag:s9] =	ssyncset.done $0x0  }
0xf2: {  	[sflag:s9] =	ssyncadd.s32 $0xFFFF8000  }
0xf3: {  	[tilespmem:s14], [sflag:$0x2] =	stream.strided.gather [hbm4b:s20+s4], $0x8000, s12, s4, $0x38;
	[tilespmem:$0x10000] =	vst v63  }
0xf4: {  	_ =	swait.ge [sflag:s11], $0x8000  }
0xf5: {  	[sflag:s11] =	ssyncset.done $0x0  }
0xf6: {  	[sflag:s11] =	ssyncadd.s32 $0xFFFF8000  }
0xf7: {  	[tilespmem:s2], [sflag:$0x1] =	stream.strided.gather [hbm4b:s19+s4], $0x8000, s12, s4, $0x38;
	[tilespmem:$0x10000] =	vst v63  }
0xf8: {  	_ =	swait.ge [sflag:s9], $0x8000  }
0xf9: {  	[sflag:s9] =	ssyncset.done $0x0  }
0xfa: {  	[sflag:s9] =	ssyncadd.s32 $0xFFFF8000  }
0xfb: {  	[tilespmem:s14], [sflag:$0x2] =	stream.strided.gather [hbm4b:s18+s4], $0x8000, s12, s4, $0x38;
	[tilespmem:$0x10000] =	vst v63  }
0xfc: {  	_ =	swait.ge [sflag:s11], $0x8000  }
0xfd: {  	[sflag:s11] =	ssyncset.done $0x0  }
0xfe: {  	[sflag:s11] =	ssyncadd.s32 $0xFFFF8000  }
0xff: {  	[tilespmem:s2], [sflag:$0x1] =	stream.strided.gather [hbm4b:s17+s4], $0x8000, s12, s4, $0x38;
	[tilespmem:$0x10000] =	vst v63  }
0x100: {  	_ =	swait.ge [sflag:s9], $0x8000  }
0x101: {  	[sflag:s9] =	ssyncset.done $0x0  }
0x102: {  	[sflag:s9] =	ssyncadd.s32 $0xFFFF8000  }
0x103: {  	[tilespmem:s14], [sflag:$0x2] =	stream.strided.gather [hbm4b:s16+s4], $0x8000, s12, s4, $0x38;
	[tilespmem:$0x10000] =	vst v63  }
0x104: {  	_ =	swait.ge [sflag:s11], $0x8000  }
0x105: {  	[sflag:s11] =	ssyncset.done $0x0  }
0x106: {  	[sflag:s11] =	ssyncadd.s32 $0xFFFF8000  }
0x107: {  	[tilespmem:s2], [sflag:$0x1] =	stream.strided.gather [hbm4b:s15+s4], $0x8000, s12, s4, $0x38;
	[tilespmem:$0x10000] =	vst v63  }
0x108: {  	_ =	swait.ge [sflag:s9], $0x8000  }
0x109: {  	[sflag:s9] =	ssyncset.done $0x0  }
0x10a: {  	[sflag:s9] =	ssyncadd.s32 $0xFFFF8000  }
0x10b: {  	[tilespmem:s14], [sflag:$0x2] =	stream.strided.gather [hbm4b:s13+s4], $0x8000, s12, s4, $0x38;
	[tilespmem:$0x10000] =	vst v63  }
0x10c: {  	_ =	swait.ge [sflag:s11], $0x8000  }
0x10d: {  	[sflag:s11] =	ssyncset.done $0x0  }
0x10e: {  	[sflag:s11] =	ssyncadd.s32 $0xFFFF8000  }
0x10f: {  	[tilespmem:s2], [sflag:$0x1] =	stream.strided.gather [hbm4b:s10+s4], $0x8000, s12, s4, $0x38;
	[tilespmem:$0x10000] =	vst v63  }
0x110: {  	_ =	swait.ge [sflag:s9], $0x8000  }
0x111: {  	[sflag:s9] =	ssyncset.done $0x0  }
0x112: {  	[sflag:s9] =	ssyncadd.s32 $0xFFFF8000  }
0x113: {  	[tilespmem:s14], [sflag:$0x2] =	stream.strided.gather [hbm4b:s7+s4], $0x8000, s12, s4, $0x38;
	[tilespmem:$0x10000] =	vst v63  }
0x114: {  	_ =	swait.ge [sflag:s11], $0x8000  }
0x115: {  	[sflag:s11] =	ssyncset.done $0x0  }
0x116: {  	[sflag:s11] =	ssyncadd.s32 $0xFFFF8000  }
0x117: {  	_ =	swait.ge [sflag:s9], $0x8000  }
0x118: {  	[sflag:s9] =	ssyncset.done $0x0  }
0x119: {  	[sflag:s9] =	ssyncadd.s32 $0xFFFF8000  }
0x11a: {  	[hbm4b:s3+s2] =	stream.linear.scatter [tilespmem:s2], [sflag:$0x3], $0x1000, $0x38;
	[tilespmem:$0x10000] =	vst v63  }
0x11b: {  	_ = 	snop  }
0x11c: {  	[hbm4b:s29+s2] =	stream.linear.scatter [tilespmem:s4], [sflag:$0x3], $0x1000, $0x38;
	[tilespmem:$0x10000] =	vst v63  }
0x11d: {  	p1 =	sne.s32 s1, $0x1  }
0x11e: {  	[hbm4b:s30+s2] =	stream.linear.scatter [tilespmem:s8], [sflag:$0x3], $0x1000, $0x38;
	[tilespmem:$0x10000] =	vst v63  }
.Ltmp2:
0x11f: {  	_ = 	snop;
	(pc) =	sbr.rel @p1 .LBB2_3-.Ltmp2, $4  }
0x120: {  	s6 =	simm.s32 $0x6000  }
0x121: {  	[hbm4b:s31+s2] =	stream.linear.scatter [tilespmem:s6], [sflag:$0x3], $0x1000, $0x38;
	[tilespmem:$0x10000] =	vst v63  }
0x122: {  	_ =	swait.ge [sflag:s5], $0x4000  }
0x123: {  	s1 =	sadd.s32 $0xFFFFFFFF, s1;
	[sflag:s5] =	ssyncset.done $0x0  }
0x124: {  	s29 =	stileid.u32;
	s30 =	rddreg [dreg:$0x2]  }
.LBB2_5:
0x125: {  	s0 =	rddreg [dreg:$0x3];
	[sflag:s5] =	ssyncadd.s32 @p0 $0xFFFFC000  }
0x126: {  	[tilespmem:s2], [sflag:$0x1] =	stream.strided.gather [hbm4b:s0+s4], $0x8000, s12, s4, $0x38;
	[tilespmem:$0x10000] =	vst v63  }
0x127: {  	s1 =	rddreg [dreg:$0x4]  }
0x128: {  	[tilespmem:s14], [sflag:$0x2] =	stream.strided.gather [hbm4b:s1+s4], $0x8000, s12, s4, $0x38;
	[tilespmem:$0x10000] =	vst v63  }
0x129: {  	_ =	swait.ge [sflag:s11], $0x8000  }
0x12a: {  	[sflag:s11] =	ssyncset.done $0x0  }
0x12b: {  	s31 =	rddreg [dreg:$0x5];
	[sflag:s11] =	ssyncadd.s32 $0xFFFF8000  }
0x12c: {  	[tilespmem:s2], [sflag:$0x1] =	stream.strided.gather [hbm4b:s31+s4], $0x8000, s12, s4, $0x38;
	[tilespmem:$0x10000] =	vst v63  }
0x12d: {  	_ =	swait.ge [sflag:s9], $0x8000  }
0x12e: {  	[sflag:s9] =	ssyncset.done $0x0  }
0x12f: {  	s1 =	rddreg [dreg:$0x6];
	[sflag:s9] =	ssyncadd.s32 $0xFFFF8000  }
0x130: {  	[tilespmem:s14], [sflag:$0x2] =	stream.strided.gather [hbm4b:s1+s4], $0x8000, s12, s4, $0x38;
	[tilespmem:$0x10000] =	vst v63  }
0x131: {  	_ =	swait.ge [sflag:s11], $0x8000  }
0x132: {  	[sflag:s11] =	ssyncset.done $0x0  }
0x133: {  	s31 =	rddreg [dreg:$0x7];
	[sflag:s11] =	ssyncadd.s32 $0xFFFF8000  }
0x134: {  	[tilespmem:s2], [sflag:$0x1] =	stream.strided.gather [hbm4b:s31+s4], $0x8000, s12, s4, $0x38;
	[tilespmem:$0x10000] =	vst v63  }
0x135: {  	_ =	swait.ge [sflag:s9], $0x8000  }
0x136: {  	[sflag:s9] =	ssyncset.done $0x0  }
0x137: {  	s1 =	rddreg [dreg:$0x8];
	[sflag:s9] =	ssyncadd.s32 $0xFFFF8000  }
0x138: {  	[tilespmem:s14], [sflag:$0x2] =	stream.strided.gather [hbm4b:s1+s4], $0x8000, s12, s4, $0x38;
	[tilespmem:$0x10000] =	vst v63  }
0x139: {  	_ =	swait.ge [sflag:s11], $0x8000  }
0x13a: {  	[sflag:s11] =	ssyncset.done $0x0  }
0x13b: {  	s31 =	rddreg [dreg:$0x9];
	[sflag:s11] =	ssyncadd.s32 $0xFFFF8000  }
0x13c: {  	[tilespmem:s2], [sflag:$0x1] =	stream.strided.gather [hbm4b:s31+s4], $0x8000, s12, s4, $0x38;
	[tilespmem:$0x10000] =	vst v63  }
0x13d: {  	_ =	swait.ge [sflag:s9], $0x8000  }
0x13e: {  	[sflag:s9] =	ssyncset.done $0x0  }
0x13f: {  	s1 =	rddreg [dreg:$0xa];
	[sflag:s9] =	ssyncadd.s32 $0xFFFF8000  }
0x140: {  	[tilespmem:s14], [sflag:$0x2] =	stream.strided.gather [hbm4b:s1+s4], $0x8000, s12, s4, $0x38;
	[tilespmem:$0x10000] =	vst v63  }
0x141: {  	_ =	swait.ge [sflag:s11], $0x8000  }
0x142: {  	[sflag:s11] =	ssyncset.done $0x0  }
0x143: {  	s31 =	rddreg [dreg:$0xb];
	[sflag:s11] =	ssyncadd.s32 $0xFFFF8000  }
0x144: {  	[tilespmem:s2], [sflag:$0x1] =	stream.strided.gather [hbm4b:s31+s4], $0x8000, s12, s4, $0x38;
	[tilespmem:$0x10000] =	vst v63  }
0x145: {  	_ =	swait.ge [sflag:s9], $0x8000  }
0x146: {  	[sflag:s9] =	ssyncset.done $0x0  }
0x147: {  	s1 =	rddreg [dreg:$0xc];
	[sflag:s9] =	ssyncadd.s32 $0xFFFF8000  }
0x148: {  	[tilespmem:s14], [sflag:$0x2] =	stream.strided.gather [hbm4b:s1+s4], $0x8000, s12, s4, $0x38;
	[tilespmem:$0x10000] =	vst v63  }
0x149: {  	_ =	swait.ge [sflag:s11], $0x8000  }
0x14a: {  	[sflag:s11] =	ssyncset.done $0x0  }
0x14b: {  	s31 =	rddreg [dreg:$0xd];
	[sflag:s11] =	ssyncadd.s32 $0xFFFF8000  }
0x14c: {  	[tilespmem:s2], [sflag:$0x1] =	stream.strided.gather [hbm4b:s31+s4], $0x8000, s12, s4, $0x38;
	[tilespmem:$0x10000] =	vst v63  }
0x14d: {  	_ =	swait.ge [sflag:s9], $0x8000  }
0x14e: {  	[sflag:s9] =	ssyncset.done $0x0  }
0x14f: {  	s1 =	rddreg [dreg:$0xe];
	[sflag:s9] =	ssyncadd.s32 $0xFFFF8000  }
0x150: {  	[tilespmem:s14], [sflag:$0x2] =	stream.strided.gather [hbm4b:s1+s4], $0x8000, s12, s4, $0x38;
	[tilespmem:$0x10000] =	vst v63  }
0x151: {  	_ =	swait.ge [sflag:s11], $0x8000  }
0x152: {  	[sflag:s11] =	ssyncset.done $0x0  }
0x153: {  	s31 =	rddreg [dreg:$0xf];
	[sflag:s11] =	ssyncadd.s32 $0xFFFF8000  }
0x154: {  	[tilespmem:s2], [sflag:$0x1] =	stream.strided.gather [hbm4b:s31+s4], $0x8000, s12, s4, $0x38;
	[tilespmem:$0x10000] =	vst v63  }
0x155: {  	_ =	swait.ge [sflag:s9], $0x8000  }
0x156: {  	[sflag:s9] =	ssyncset.done $0x0  }
0x157: {  	s1 =	rddreg [dreg:$0x10];
	[sflag:s9] =	ssyncadd.s32 $0xFFFF8000  }
0x158: {  	[tilespmem:s14], [sflag:$0x2] =	stream.strided.gather [hbm4b:s1+s4], $0x8000, s12, s4, $0x38;
	[tilespmem:$0x10000] =	vst v63  }
0x159: {  	_ =	swait.ge [sflag:s11], $0x8000  }
0x15a: {  	[sflag:s11] =	ssyncset.done $0x0  }
0x15b: {  	[sflag:s11] =	ssyncadd.s32 $0xFFFF8000  }
0x15c: {  	[tilespmem:s2], [sflag:$0x1] =	stream.strided.gather [hbm4b:s28+s4], $0x8000, s12, s4, $0x38;
	[tilespmem:$0x10000] =	vst v63  }
0x15d: {  	_ =	swait.ge [sflag:s9], $0x8000  }
0x15e: {  	[sflag:s9] =	ssyncset.done $0x0  }
0x15f: {  	[sflag:s9] =	ssyncadd.s32 $0xFFFF8000  }
0x160: {  	[tilespmem:s14], [sflag:$0x2] =	stream.strided.gather [hbm4b:s26+s4], $0x8000, s12, s4, $0x38;
	[tilespmem:$0x10000] =	vst v63  }
0x161: {  	_ =	swait.ge [sflag:s11], $0x8000  }
0x162: {  	[sflag:s11] =	ssyncset.done $0x0  }
0x163: {  	[sflag:s11] =	ssyncadd.s32 $0xFFFF8000  }
0x164: {  	[tilespmem:s2], [sflag:$0x1] =	stream.strided.gather [hbm4b:s25+s4], $0x8000, s12, s4, $0x38;
	[tilespmem:$0x10000] =	vst v63  }
0x165: {  	_ =	swait.ge [sflag:s9], $0x8000  }
0x166: {  	[sflag:s9] =	ssyncset.done $0x0  }
0x167: {  	[sflag:s9] =	ssyncadd.s32 $0xFFFF8000  }
0x168: {  	[tilespmem:s14], [sflag:$0x2] =	stream.strided.gather [hbm4b:s24+s4], $0x8000, s12, s4, $0x38;
	[tilespmem:$0x10000] =	vst v63  }
0x169: {  	_ =	swait.ge [sflag:s11], $0x8000  }
0x16a: {  	[sflag:s11] =	ssyncset.done $0x0  }
0x16b: {  	[sflag:s11] =	ssyncadd.s32 $0xFFFF8000  }
0x16c: {  	[tilespmem:s2], [sflag:$0x1] =	stream.strided.gather [hbm4b:s23+s4], $0x8000, s12, s4, $0x38;
	[tilespmem:$0x10000] =	vst v63  }
0x16d: {  	_ =	swait.ge [sflag:s9], $0x8000  }
0x16e: {  	[sflag:s9] =	ssyncset.done $0x0  }
0x16f: {  	[sflag:s9] =	ssyncadd.s32 $0xFFFF8000  }
0x170: {  	[tilespmem:s14], [sflag:$0x2] =	stream.strided.gather [hbm4b:s22+s4], $0x8000, s12, s4, $0x38;
	[tilespmem:$0x10000] =	vst v63  }
0x171: {  	_ =	swait.ge [sflag:s11], $0x8000  }
0x172: {  	[sflag:s11] =	ssyncset.done $0x0  }
0x173: {  	[sflag:s11] =	ssyncadd.s32 $0xFFFF8000  }
0x174: {  	[tilespmem:s2], [sflag:$0x1] =	stream.strided.gather [hbm4b:s21+s4], $0x8000, s12, s4, $0x38;
	[tilespmem:$0x10000] =	vst v63  }
0x175: {  	_ =	swait.ge [sflag:s9], $0x8000  }
0x176: {  	[sflag:s9] =	ssyncset.done $0x0  }
0x177: {  	[sflag:s9] =	ssyncadd.s32 $0xFFFF8000  }
0x178: {  	[tilespmem:s14], [sflag:$0x2] =	stream.strided.gather [hbm4b:s20+s4], $0x8000, s12, s4, $0x38;
	[tilespmem:$0x10000] =	vst v63  }
0x179: {  	_ =	swait.ge [sflag:s11], $0x8000  }
0x17a: {  	[sflag:s11] =	ssyncset.done $0x0  }
0x17b: {  	[sflag:s11] =	ssyncadd.s32 $0xFFFF8000  }
0x17c: {  	[tilespmem:s2], [sflag:$0x1] =	stream.strided.gather [hbm4b:s19+s4], $0x8000, s12, s4, $0x38;
	[tilespmem:$0x10000] =	vst v63  }
0x17d: {  	_ =	swait.ge [sflag:s9], $0x8000  }
0x17e: {  	[sflag:s9] =	ssyncset.done $0x0  }
0x17f: {  	[sflag:s9] =	ssyncadd.s32 $0xFFFF8000  }
0x180: {  	[tilespmem:s14], [sflag:$0x2] =	stream.strided.gather [hbm4b:s18+s4], $0x8000, s12, s4, $0x38;
	[tilespmem:$0x10000] =	vst v63  }
0x181: {  	_ =	swait.ge [sflag:s11], $0x8000  }
0x182: {  	[sflag:s11] =	ssyncset.done $0x0  }
0x183: {  	[sflag:s11] =	ssyncadd.s32 $0xFFFF8000  }
0x184: {  	[tilespmem:s2], [sflag:$0x1] =	stream.strided.gather [hbm4b:s17+s4], $0x8000, s12, s4, $0x38;
	[tilespmem:$0x10000] =	vst v63  }
0x185: {  	_ =	swait.ge [sflag:s9], $0x8000  }
0x186: {  	[sflag:s9] =	ssyncset.done $0x0  }
0x187: {  	[sflag:s9] =	ssyncadd.s32 $0xFFFF8000  }
0x188: {  	[tilespmem:s14], [sflag:$0x2] =	stream.strided.gather [hbm4b:s16+s4], $0x8000, s12, s4, $0x38;
	[tilespmem:$0x10000] =	vst v63  }
0x189: {  	_ =	swait.ge [sflag:s11], $0x8000  }
0x18a: {  	[sflag:s11] =	ssyncset.done $0x0  }
0x18b: {  	[sflag:s11] =	ssyncadd.s32 $0xFFFF8000  }
0x18c: {  	[tilespmem:s2], [sflag:$0x1] =	stream.strided.gather [hbm4b:s15+s4], $0x8000, s12, s4, $0x38;
	[tilespmem:$0x10000] =	vst v63  }
0x18d: {  	_ =	swait.ge [sflag:s9], $0x8000  }
0x18e: {  	[sflag:s9] =	ssyncset.done $0x0  }
0x18f: {  	[sflag:s9] =	ssyncadd.s32 $0xFFFF8000  }
0x190: {  	[tilespmem:s14], [sflag:$0x2] =	stream.strided.gather [hbm4b:s13+s4], $0x8000, s12, s4, $0x38;
	[tilespmem:$0x10000] =	vst v63  }
0x191: {  	_ =	swait.ge [sflag:s11], $0x8000  }
0x192: {  	[sflag:s11] =	ssyncset.done $0x0  }
0x193: {  	[sflag:s11] =	ssyncadd.s32 $0xFFFF8000  }
0x194: {  	[tilespmem:s2], [sflag:$0x1] =	stream.strided.gather [hbm4b:s10+s4], $0x8000, s12, s4, $0x38;
	[tilespmem:$0x10000] =	vst v63  }
0x195: {  	_ =	swait.ge [sflag:s9], $0x8000  }
0x196: {  	[sflag:s9] =	ssyncset.done $0x0  }
0x197: {  	[sflag:s9] =	ssyncadd.s32 $0xFFFF8000  }
0x198: {  	[tilespmem:s14], [sflag:$0x2] =	stream.strided.gather [hbm4b:s7+s4], $0x8000, s12, s4, $0x38;
	[tilespmem:$0x10000] =	vst v63  }
0x199: {  	_ =	swait.ge [sflag:s11], $0x8000  }
0x19a: {  	[sflag:s11] =	ssyncset.done $0x0  }
0x19b: {  	[sflag:s11] =	ssyncadd.s32 $0xFFFF8000  }
0x19c: {  	_ =	swait.ge [sflag:s9], $0x8000  }
0x19d: {  	[sflag:s9] =	ssyncset.done $0x0  }
0x19e: {  	[sflag:s9] =	ssyncadd.s32 $0xFFFF8000  }
0x19f: {  	[hbm4b:s3+s2] =	stream.linear.scatter [tilespmem:s2], [sflag:$0x3], $0x1000, $0x38;
	[tilespmem:$0x10000] =	vst v63  }
0x1a0: {  	s26 =	sadd.s32 $0x4000, s3  }
0x1a1: {  	[hbm4b:s26+s2] =	stream.linear.scatter [tilespmem:s4], [sflag:$0x3], $0x1000, $0x38;
	[tilespmem:$0x10000] =	vst v63  }
0x1a2: {  	s28 =	sadd.s32 $0x8000, s3  }
0x1a3: {  	[hbm4b:s28+s2] =	stream.linear.scatter [tilespmem:s8], [sflag:$0x3], $0x1000, $0x38;
	[tilespmem:$0x10000] =	vst v63  }
0x1a4: {  	s31 =	sadd.s32 $0xC000, s3  }
0x1a5: {  	[hbm4b:s31+s2] =	stream.linear.scatter [tilespmem:s6], [sflag:$0x3], $0x1000, $0x38;
	[tilespmem:$0x10000] =	vst v63  }
0x1a6: {  	_ =	swait.ge [sflag:s5], $0x4000  }
0x1a7: {  	[sflag:s5] =	ssyncset.done $0x0  }
0x1a8: {  	[sflag:s5] =	ssyncadd.s32 $0xFFFFC000  }
0x1a9: {  	_ =	sfence.sel $0x180000  }
0x1aa: {  	[bflag:$0x0] =	sbarrier.arrive $0xFFFF  }
0x1ab: {  	p0 =	sne.s32 s29, $0x0;
	_ =	strace $0x90000047  }
0x1ac: {  	s0 =	sadd.s32 @!p0 $0x100000, s30;
	[bflag:$0x2] =	sbarrier.arrive $0xFFFF  }
0x1ad: {  	[sflag:s0] =	ssyncadd.tile.s32 @!p0 $0x1;
	_ =	shalt  }
.LBB2_2:
.Ltmp3:
0x1ae: {  	(pc) =	sbr.rel .LBB2_5-.Ltmp3, $2  }
0x1af: {  	_ =	sdelay $0x2  }
0x1b0: {  	s29 =	stileid.u32;
	s30 =	rddreg [dreg:$0x2]  }
.Lfunc_end2:
_tile_overlayer_lowered:
.L_overlay_start_2:
0x1b1: {  	(tag) =	ssettag $0x2  }
0x1b2: {  	s0 =	rddreg [dreg:$0x0];
	s2 =	stileid.u32  }
0x1b3: {  	s1 =	rddreg [dreg:$0x1];
	p0 =	sne.s32 s2, $0x0  }
0x1b4: {  	s3 =	rddreg [dreg:$0x2];
	[bflag:$0x3] =	sbarrier.arrive $0xFFFF;
	s2 =	simm.s32 @!p0 $0x1C03  }
0x1b5: {  	[timem:s3], [sflag:s2] =	dma.local @!p0 [hbm:s0], s1  }
0x1b6: {  	s0 =	simm.s32 @!p0 $0x3  }
0x1b7: {  	_ =	swait.ge @!p0 [sflag:s0], s1  }
0x1b8: {  	s1 =	ssub.s32 @!p0 $0x0, s1;
	[sflag:s0] =	ssyncset.done @!p0 $0x0  }
0x1b9: {  	[sflag:s0] =	ssyncadd.s32 @!p0 s1  }
0x1ba: {  	[bflag:$0x3] =	sbarrier.arrive $0xFFFF  }
0x1bb: {  	_ =	shalt  }

// kernel: kernel.7.cloned.1.call-start
scs
__scs_entry_jumppad:
0x0: {  	(pc) =	sbr.rel $0x88, $3  }
0x1: {  	(tag) =	ssettag $0x0;
	lr =	simm.s32 $0x1  }
0x2: {  	[smem:$0x3F9D] =	sst lr;
	_ =	strace $0xD0000000  }
0x3: {  	_ = 	snop  }
0x4: {  	_ = 	snop  }
0x5: {  	_ = 	snop  }
0x6: {  	_ = 	snop  }
0x7: {  	_ = 	snop  }
__scs_overlays_trampoline_lowered:
0x8: {  	[smem:$0x3FAC] =	sst s0  }
0x9: {  	[smem:$0x3FAD] =	sst s1  }
0xa: {  	[smem:$0x3FAE] =	sst s2  }
0xb: {  	[smem:$0x3FAF] =	sst s3  }
0xc: {  	[smem:$0x3FB0] =	sst s4  }
0xd: {  	[smem:$0x3FB1] =	sst s5  }
0xe: {  	[smem:$0x3FB2] =	sst s6  }
0xf: {  	[smem:$0x3FB3] =	sst s7  }
0x10: {  	[smem:$0x3FB4] =	sst s8  }
0x11: {  	[smem:$0x3FB5] =	sst s9;
	s0 =	simm.s32 @!p0 $0x0  }
0x12: {  	s1 =	sld [smem:$0x3F9B];
	s0 =	simm.s32 @p0 $0x1  }
0x13: {  	[smem:$0x3FB6] =	sst s0;
	s0 =	simm.s32 @!p1 $0x0  }
0x14: {  	s2 =	sld [smem:$0x3F9A];
	s0 =	simm.s32 @p1 $0x1  }
0x15: {  	[smem:$0x3FB7] =	sst s0;
	s0 =	simm.s32 @!p2 $0x0  }
0x16: {  	s3 =	sld [smem:$0x3FDB];
	s0 =	simm.s32 @p2 $0x1  }
0x17: {  	s4 =	simm.s32 $0x1BF5;
	[smem:$0x3FB9] =	sst s0  }
0x18: {  	s0 =	sld [smem:$0x3F9C];
	_ =	swait.ge [sflag:s4], $0x0  }
0x19: {  	s7 =	sld [smem:$0x3F9D]  }
0x1a: {  	s8 =	sadd.s32 $0xFFFFE003, lr  }
0x1b: {  	s9 =	sadd.s32 $0xFFFFFEF7, lr;
	s5 =	simm.s32 $0xFFFFFFFF;
	p2 =	slt.u32 s8, $0xFFFFF086  }
0x1c: {  	p1 =	slt.u32 s9, $0xF7A;
	s5 =	simm.s32 @!p2 $0x0  }
0x1d: {  	s5 =	simm.s32 @p1 $0x1;
	p0 =	seq.s32 s7, s2  }
0x1e: {  	s7 =	smul.u32 @!p0 $0xF7A, s2;
	p2 =	seq.s32 @!p0 s5, $0x0  }
0x1f: {  	s9 =	smul.u32 $0xF7A, s1;
	s8 =	simm.s32 @!p0 $0x1BF5;
	p2 =	por !p2, p0  }
0x20: {  	[sflag:s8] =	ssyncset.s32 @!p0 $0xFFFFF086;
	s6 =	sadd.s32 @!p0 s3, s7;
	s7 =	simm.s32 @!p0 $0x108  }
0x21: {  	s3 =	sadd.s32 s3, s9;
	s6 =	sadd.s32 @!p0 $0x88, s6;
	s7 =	simm.s32 @p2 $0x1082  }
0x22: {  	[simem:s7], [sflag:s8] =	dma.local @!p0 [hbm:s6], $0xF7A  }
0x23: {  	s9 =	sor.u32 $0xD0000000, s2;
	s6 =	simm.s32 $0x108;
	_ =	swait.ge @!p0 [sflag:s8], $0x0  }
0x24: {  	s3 =	sadd.s32 $0x88, s3;
	s6 =	simm.s32 @!p1 $0x1082;
	[sflag:s4] =	ssyncset.s32 $0xFFFFF086  }
0x25: {  	[simem:s6], [sflag:s4] =	dma.local [hbm:s3], $0xF7A  }
0x26: {  	[smem:$0x3F9D] =	sst s1;
	(tag) =	ssettag s2;
	_ =	strace s9  }
0x27: {  	s1 =	sld [smem:$0x3FAD]  }
0x28: {  	s2 =	sld [smem:$0x3FAE]  }
0x29: {  	s4 =	sld [smem:$0x3FB0]  }
0x2a: {  	p0 =	seq.s32 s5, $0x0;
	s5 =	sld [smem:$0x3FB1]  }
0x2b: {  	s6 =	sld [smem:$0x3FB2]  }
0x2c: {  	s7 =	sld [smem:$0x3FB3]  }
0x2d: {  	s3 =	simm.s32 $0x108;
	s8 =	sld [smem:$0x3FB4]  }
0x2e: {  	s3 =	simm.s32 @!p0 $0x1082;
	s9 =	sld [smem:$0x3FB5]  }
0x2f: {  	lr =	sadd.s32 s0, s3;
	s0 =	sld [smem:$0x3FAC]  }
0x30: {  	s3 =	sld [smem:$0x3FAF]  }
0x31: {  	[smem:$0x3FB8] =	sst s10  }
0x32: {  	s10 =	sld [smem:$0x3FB6];
	_ =	sdelay $0x3  }
0x33: {  	p0 =	seq.s32 s10, $0x1;
	s10 =	sld [smem:$0x3FB8];
	_ =	sdelay $0x3  }
0x34: {  	[smem:$0x3FB8] =	sst s10  }
0x35: {  	s10 =	sld [smem:$0x3FB7];
	_ =	sdelay $0x3  }
0x36: {  	p1 =	seq.s32 s10, $0x1;
	s10 =	sld [smem:$0x3FB8];
	_ =	sdelay $0x3  }
0x37: {  	[smem:$0x3FB8] =	sst s10  }
0x38: {  	s10 =	sld [smem:$0x3FB9]  }
0x39: {  	_ = 	snop;
	(pc) =	sbr.ind lr, $3  }
0x3a: {  	_ = 	snop  }
0x3b: {  	_ = 	snop  }
0x3c: {  	p2 =	seq.s32 s10, $0x1;
	s10 =	sld [smem:$0x3FB8]  }
0x3d: {  	_ =	shalt  }
0x3e: {  	_ =	shalt  }
0x3f: {  	_ =	shalt  }
0x40: {  	_ =	shalt  }
0x41: {  	_ =	shalt  }
0x42: {  	_ =	shalt  }
0x43: {  	_ =	shalt  }
0x44: {  	_ =	shalt  }
0x45: {  	_ =	shalt  }
0x46: {  	_ =	shalt  }
0x47: {  	_ =	shalt  }
0x48: {  	_ =	shalt  }
0x49: {  	_ =	shalt  }
0x4a: {  	_ =	shalt  }
0x4b: {  	_ =	shalt  }
0x4c: {  	_ =	shalt  }
0x4d: {  	_ =	shalt  }
0x4e: {  	_ =	shalt  }
0x4f: {  	_ =	shalt  }
0x50: {  	_ =	shalt  }
0x51: {  	_ =	shalt  }
0x52: {  	_ =	shalt  }
0x53: {  	_ =	shalt  }
0x54: {  	_ =	shalt  }
0x55: {  	_ =	shalt  }
0x56: {  	_ =	shalt  }
0x57: {  	_ =	shalt  }
0x58: {  	_ =	shalt  }
0x59: {  	_ =	shalt  }
0x5a: {  	_ =	shalt  }
0x5b: {  	_ =	shalt  }
0x5c: {  	_ =	shalt  }
0x5d: {  	_ =	shalt  }
0x5e: {  	_ =	shalt  }
0x5f: {  	_ =	shalt  }
0x60: {  	_ =	shalt  }
0x61: {  	_ =	shalt  }
0x62: {  	_ =	shalt  }
0x63: {  	_ =	shalt  }
0x64: {  	_ =	shalt  }
0x65: {  	_ =	shalt  }
0x66: {  	_ =	shalt  }
0x67: {  	_ =	shalt  }
0x68: {  	_ =	shalt  }
0x69: {  	_ =	shalt  }
0x6a: {  	_ =	shalt  }
0x6b: {  	_ =	shalt  }
0x6c: {  	_ =	shalt  }
0x6d: {  	_ =	shalt  }
0x6e: {  	_ =	shalt  }
0x6f: {  	_ =	shalt  }
0x70: {  	_ =	shalt  }
0x71: {  	_ =	shalt  }
0x72: {  	_ =	shalt  }
0x73: {  	_ =	shalt  }
0x74: {  	_ =	shalt  }
0x75: {  	_ =	shalt  }
0x76: {  	_ =	shalt  }
0x77: {  	_ =	shalt  }
0x78: {  	_ =	shalt  }
0x79: {  	_ =	shalt  }
0x7a: {  	_ =	shalt  }
0x7b: {  	_ =	shalt  }
0x7c: {  	_ =	shalt  }
0x7d: {  	_ =	shalt  }
0x7e: {  	_ =	shalt  }
0x7f: {  	_ =	shalt  }
0x80: {  	_ =	shalt  }
0x81: {  	_ =	shalt  }
0x82: {  	_ =	shalt  }
0x83: {  	_ =	shalt  }
0x84: {  	_ =	shalt  }
0x85: {  	_ =	shalt  }
0x86: {  	_ =	shalt  }
0x87: {  	_ =	shalt  }
.Lfunc_end0:
.L_simem_size_0:
called_computation.1_lowered:
.L_overlay_start_0:
0x88: {  	s2 =	sld [smem:$0x3FD9]  }
0x89: {  	s3 =	sld [smem:$0x3FFE];
	_ =	sdelay $0x1  }
0x8a: {  	s1 =	srdreg.scid  }
0x8b: {  	s0 =	sand.u32 $0x1, s1  }
0x8c: {  	s16 =	sshll.u32 s0, $0xA;
	s2 =	sadd.s32 s3, s2  }
0x8d: {  	s2 =	sadd.s32 s2, s16  }
0x8e: {  	[smem:$0x3FC4] =	sst s2  }
0x8f: {  	_ = 	snop  }
0x90: {  	s17 =	sld [smem:$0x3FD0];
	_ =	sdelay $0x2  }
0x91: {  	s4 =	simm.s32 $0xB;
	s5 =	simm.s32 $0x10;
	s2 =	sld [smem:$0x3FC6]  }
0x92: {  	[smem:s5], [sflag:s4] =	dma.local [hbm:s17], $0x1  }
0x93: {  	_ =	swait.eq [sflag:s4], $0x1  }
0x94: {  	[sflag:s4] =	ssyncset.done $0x0  }
0x95: {  	[sflag:s4] =	ssyncadd.s32 $0xFFFFFFFF  }
0x96: {  	s18 =	sld [smem:$0x11];
	(tm) =	ssettm $0x1  }
0x97: {  	s19 =	sld [smem:$0x3FFB];
	_ =	sdelay $0x3  }
0x98: {  	_ =	strace s19  }
0x99: {  	s3 =	sld [smem:$0x3FFC];
	_ =	sdelay $0x3  }
0x9a: {  	_ =	strace s3  }
0x9b: {  	s3 =	sld [smem:$0x3FFD];
	_ =	sdelay $0x3  }
0x9c: {  	_ =	strace s3  }
0x9d: {  	_ =	strace $0x8FFFFFFF  }
0x9e: {  	s20 =	sld [smem:$0x3FDB];
	_ =	sdelay $0x1  }
0x9f: {  	s21 =	simm.s32 $_scs_section_size  }
0xa0: {  	s6 =	simm.s32 $_size__tile_overlayer_lowered;
	s7 =	simm.s32 $_tile_overlayer_lowered  }
0xa1: {  	s8 =	simm.s32 $0x1BFF;
	s22 =	sshll.u32 s7, $0x1;
	s5 =	sadd.s32 s21, s20  }
0xa2: {  	s23 =	simm.s32 $0x0;
	s6 =	sshll.u32 s6, $0x1;
	s7 =	sadd.s32 s22, s5  }
0xa3: {  	[timem:s23], [sflag:s8] =	dma.local [hbm:s7], s6  }
0xa4: {  	_ =	swait.ge [sflag:s8], s6  }
0xa5: {  	s6 =	ssub.s32 $0x0, s6;
	[sflag:s8] =	ssyncset.done $0x0  }
0xa6: {  	[sflag:s8] =	ssyncadd.s32 s6;
	_ =	sdelay $0x1  }
0xa7: {  	s24 =	simm.s32 $0x1B8B  }
0xa8: {  	_ =	swait.ge [sflag:s24], $0x1  }
0xa9: {  	[sflag:s24] =	ssyncset.done $0x0  }
0xaa: {  	[sflag:s24] =	ssyncadd.s32 $0xFFFFFFFF  }
0xab: {  	s6 =	sld [smem:$0x0]  }
0xac: {  	s7 =	sand.u32 $0xFFFFFFFE, s1  }
0xad: {  	p0 =	sne.s32 s1, s7  }
0xae: {  	s7 =	sshll.u32 @p0 s7, $0xE  }
0xaf: {  	s7 =	sadd.s32 @p0 $0x11B8D, s7;
	s8 =	sshll.u32 @p0 s6, $0x11  }
0xb0: {  	s7 =	sor.u32 @p0 s8, s7  }
0xb1: {  	[sflag:s7] =	ssyncadd.remote.s32 @p0 $0x1;
	_ =	sdelay $0x1  }
0xb2: {  	s7 =	simm.s32 @p0 $0x1B8D  }
0xb3: {  	_ =	swait.eq @p0 [sflag:s7], $0x1  }
0xb4: {  	[sflag:s7] =	ssyncadd.s32 @p0 $0xFFFFFFFF  }
0xb5: {  	s8 =	sshll.u32 @!p0 s1, $0xE  }
0xb6: {  	s8 =	sor.u32 @!p0 $0x4000, s8;
	s7 =	simm.s32 @!p0 $0x1B8D  }
0xb7: {  	s6 =	sshll.u32 @!p0 s6, $0x11;
	s8 =	sadd.s32 @!p0 $0x11B8D, s8;
	_ =	swait.eq @!p0 [sflag:s7], $0x1  }
0xb8: {  	s6 =	sor.u32 @!p0 s6, s8;
	[sflag:s7] =	ssyncadd.s32 @!p0 $0xFFFFFFFF  }
0xb9: {  	s25 =	simm.s32 $0x1B8E;
	[sflag:s6] =	ssyncadd.remote.s32 @!p0 $0x1  }
0xba: {  	s26 =	simm.s32 $execute0_lowered;
	[smem:$0x3FD2] =	sst s25  }
0xbb: {  	s6 =	sshll.u32 s26, $0x1;
	_ =	strace $0x80000049;
	[dreg:$0x1] =	wrdreg $0xFFFFFFFF  }
0xbc: {  	s28 =	simm.s32 $_size_execute0_lowered;
	s5 =	sadd.s32 s5, s6;
	[dreg:$0x0] =	wrdreg $0x0  }
0xbd: {  	s6 =	sshll.u32 s28, $0x1;
	[dreg:$0x2] =	wrdreg s5  }
0xbe: {  	[dreg:$0x3] =	wrdreg s6  }
0xbf: {  	[dreg:$0x4] =	wrdreg $0xC0  }
0xc0: {  	_ =	task [dreg:s23], $0x5FFFF  }
0xc1: {  	[dreg:$0x1] =	wrdreg $0xFFFFFFFF  }
0xc2: {  	[dreg:$0x0] =	wrdreg $0x60  }
0xc3: {  	[dreg:$0x2] =	wrdreg s2  }
0xc4: {  	[dreg:$0x3] =	wrdreg s18  }
0xc5: {  	[dreg:$0x4] =	wrdreg $0xA  }
0xc6: {  	_ =	task.clear_ibuf [dreg:s23], $0x5FFFF;
	_ =	strace $0x90000049  }
0xc7: {  	s29 =	simm.s32 $0xA;
	_ =	strace $0x8000004B  }
0xc8: {  	_ =	swait.ge [sflag:s29], $0x1  }
0xc9: {  	[sflag:s29] =	ssyncadd.s32 $0xFFFFFFFF  }
0xca: {  	_ =	strace $0x9000004B  }
0xcb: {  	_ =	sfence  }
0xcc: {  	s30 =	sld [smem:$0x0];
	_ =	sdelay $0x2  }
0xcd: {  	s31 =	sshll.u32 s1, $0xD;
	s1 =	sshrl.u32 s1, $0x2  }
0xce: {  	s4 =	sand.u32 $0x4000, s31;
	s1 =	sadd.s32 s1, s30  }
0xcf: {  	s0 =	sor.u32 s4, s0;
	s1 =	sshll.u32 s1, $0x11  }
0xd0: {  	s0 =	sor.u32 s1, s0  }
0xd1: {  	s0 =	sadd.s32 $0x8F2B, s0  }
0xd2: {  	[sflag:s0] =	ssyncadd.remote.s32 $0x1  }
0xd3: {  	_ =	sfence.sel $0xFFFF  }
0xd4: {  	[dreg:$0x0] =	wrdreg $0xFFFFFFFF;
	(pc) =	sbr.abs _section_cstart, $3  }
0xd5: {  	[dreg:$0x1] =	wrdreg $0xFFFFFFFF  }
0xd6: {  	_ =	task.clear_ibuf [dreg:s23], $0x2FFFF;
	_ =	strace $0x9FFFFFFF  }
0xd7: {  	(tm) =	ssettm $0x7FFFFFFF  }
tec
execute0_lowered:
.L_overlay_start_1:
0x0: {  	(tag) =	ssettag $0x1  }
0x1: {  	s1 =	srdreg.scid  }
0x2: {  	s29 =	stileid.u32;
	s3 =	rddreg [dreg:$0x0]  }
0x3: {  	s5 =	rddreg [dreg:$0x1];
	s1 =	sand.u32 $0x1, s1;
	s2 =	sshll.u32 s29, $0x1  }
0x4: {  	s30 =	rddreg [dreg:$0x2];
	s4 =	sor.u32 s1, s2  }
0x5: {  	s12 =	simm.s32 $0x7A1400;
	s14 =	simm.s32 $0x8000;
	s6 =	smul.u32 $0x3D000, s4  }
0x6: {  	s11 =	simm.s32 $0x1;
	s9 =	simm.s32 $0x2;
	s7 =	smul.u32 $0x7A00, s4  }
0x7: {  	p0 =	por $0x0, $0x0;
	s2 =	simm.s32 $0x0;
	s6 =	sshrl.u32 s6, $0x3  }
0x8: {  	[smem:$0x7FF] =	sst s2;
	s7 =	sadd.s32 s3, s7;
	s3 =	sadd.s32 s3, s6  }
0x9: {  	_ =	strace $0x8000004A;
	[dreg:$0x3] =	wrdreg s7;
	s6 =	sadd.s32 $0x400, s3  }
0xa: {  	s8 =	simm.s32 $0x4000;
	s15 =	sadd.s32 $0x800, s3;
	[dreg:$0x4] =	wrdreg s6  }
0xb: {  	s1 =	ssub.s32 $0x2, s1;
	s16 =	sadd.s32 $0xC00, s3;
	[dreg:$0x5] =	wrdreg s15  }
0xc: {  	s26 =	sshrl.u32 s1, $0x1;
	s17 =	sadd.s32 $0x1000, s3;
	[dreg:$0x6] =	wrdreg s16  }
0xd: {  	s4 =	sshll.u32 s4, $0x9;
	s18 =	sadd.s32 $0x1400, s3;
	[dreg:$0x7] =	wrdreg s17  }
0xe: {  	s1 =	ssub.s32 s1, s26;
	s19 =	sadd.s32 $0x1800, s3;
	[dreg:$0x8] =	wrdreg s18  }
0xf: {  	s1 =	smax.u32 s1, $0x1;
	s20 =	sadd.s32 $0x1C00, s3;
	[dreg:$0x9] =	wrdreg s19  }
0x10: {  	p1 =	sne.s32 s1, $0x1;
	s21 =	sadd.s32 $0x2000, s3;
	[dreg:$0xa] =	wrdreg s20  }
0x11: {  	s1 =	sadd.s32 $0xFFFFFFFF, s1;
	s22 =	sadd.s32 $0x2400, s3;
	[dreg:$0xb] =	wrdreg s21  }
0x12: {  	s23 =	sadd.s32 $0x2800, s3;
	s24 =	sadd.s32 $0x2C00, s3;
	[dreg:$0xc] =	wrdreg s22  }
0x13: {  	s25 =	sadd.s32 $0x3000, s3;
	s31 =	sadd.s32 $0x3400, s3;
	[dreg:$0xd] =	wrdreg s23  }
0x14: {  	s28 =	sadd.s32 $0x3800, s3;
	s26 =	sadd.s32 $0x3C00, s3;
	[dreg:$0xe] =	wrdreg s24  }
0x15: {  	s13 =	sadd.s32 $0x6C00, s3;
	s10 =	sadd.s32 $0x7000, s3;
	[dreg:$0xf] =	wrdreg s25  }
0x16: {  	s7 =	sadd.s32 $0x7400, s3;
	[dreg:$0x10] =	wrdreg s31;
	s25 =	sadd.s32 $0x4000, s3  }
.Ltmp0:
0x17: {  	s24 =	sadd.s32 $0x4400, s3;
	s23 =	sadd.s32 $0x4800, s3;
	(pc) =	sbr.rel @!p1 .LBB2_5-.Ltmp0, $4  }
0x18: {  	s22 =	sadd.s32 $0x4C00, s3;
	s21 =	sadd.s32 $0x5000, s3;
	s20 =	sadd.s32 $0x5400, s3  }
0x19: {  	s19 =	sadd.s32 $0x5800, s3;
	s18 =	sadd.s32 $0x5C00, s3;
	s17 =	sadd.s32 $0x6000, s3  }
0x1a: {  	s16 =	sadd.s32 $0x6400, s3;
	s15 =	sadd.s32 $0x6800, s3;
	s3 =	sadd.s32 s5, s4  }
0x1b: {  	s4 =	simm.s32 $0x2000;
	s6 =	simm.s32 $0x6000;
	s5 =	simm.s32 $0x3  }
0x1c: {  	s29 =	rddreg [dreg:$0x3]  }
0x1d: {  	[tilespmem:s2], [sflag:$0x1] =	stream.strided.gather [hbm4b:s29+s4], $0x8000, s12, s4, $0x38;
	[tilespmem:$0x10000] =	vst v63  }
0x1e: {  	s30 =	rddreg [dreg:$0x4]  }
0x1f: {  	[tilespmem:s14], [sflag:$0x2] =	stream.strided.gather [hbm4b:s30+s4], $0x8000, s12, s4, $0x38;
	[tilespmem:$0x10000] =	vst v63  }
0x20: {  	_ =	swait.ge [sflag:s11], $0x8000  }
0x21: {  	[sflag:s11] =	ssyncset.done $0x0  }
0x22: {  	s29 =	rddreg [dreg:$0x5];
	[sflag:s11] =	ssyncadd.s32 $0xFFFF8000  }
0x23: {  	[tilespmem:s2], [sflag:$0x1] =	stream.strided.gather [hbm4b:s29+s4], $0x8000, s12, s4, $0x38;
	[tilespmem:$0x10000] =	vst v63  }
0x24: {  	_ =	swait.ge [sflag:s9], $0x8000  }
0x25: {  	[sflag:s9] =	ssyncset.done $0x0  }
0x26: {  	s29 =	rddreg [dreg:$0x6];
	[sflag:s9] =	ssyncadd.s32 $0xFFFF8000  }
0x27: {  	[tilespmem:s14], [sflag:$0x2] =	stream.strided.gather [hbm4b:s29+s4], $0x8000, s12, s4, $0x38;
	[tilespmem:$0x10000] =	vst v63  }
0x28: {  	_ =	swait.ge [sflag:s11], $0x8000  }
0x29: {  	[sflag:s11] =	ssyncset.done $0x0  }
0x2a: {  	s29 =	rddreg [dreg:$0x7];
	[sflag:s11] =	ssyncadd.s32 $0xFFFF8000  }
0x2b: {  	[tilespmem:s2], [sflag:$0x1] =	stream.strided.gather [hbm4b:s29+s4], $0x8000, s12, s4, $0x38;
	[tilespmem:$0x10000] =	vst v63  }
0x2c: {  	_ =	swait.ge [sflag:s9], $0x8000  }
0x2d: {  	[sflag:s9] =	ssyncset.done $0x0  }
0x2e: {  	s29 =	rddreg [dreg:$0x8];
	[sflag:s9] =	ssyncadd.s32 $0xFFFF8000  }
0x2f: {  	[tilespmem:s14], [sflag:$0x2] =	stream.strided.gather [hbm4b:s29+s4], $0x8000, s12, s4, $0x38;
	[tilespmem:$0x10000] =	vst v63  }
0x30: {  	_ =	swait.ge [sflag:s11], $0x8000  }
0x31: {  	[sflag:s11] =	ssyncset.done $0x0  }
0x32: {  	s29 =	rddreg [dreg:$0x9];
	[sflag:s11] =	ssyncadd.s32 $0xFFFF8000  }
0x33: {  	[tilespmem:s2], [sflag:$0x1] =	stream.strided.gather [hbm4b:s29+s4], $0x8000, s12, s4, $0x38;
	[tilespmem:$0x10000] =	vst v63  }
0x34: {  	_ =	swait.ge [sflag:s9], $0x8000  }
0x35: {  	[sflag:s9] =	ssyncset.done $0x0  }
0x36: {  	s29 =	rddreg [dreg:$0xa];
	[sflag:s9] =	ssyncadd.s32 $0xFFFF8000  }
0x37: {  	[tilespmem:s14], [sflag:$0x2] =	stream.strided.gather [hbm4b:s29+s4], $0x8000, s12, s4, $0x38;
	[tilespmem:$0x10000] =	vst v63  }
0x38: {  	_ =	swait.ge [sflag:s11], $0x8000  }
0x39: {  	[sflag:s11] =	ssyncset.done $0x0  }
0x3a: {  	s29 =	rddreg [dreg:$0xb];
	[sflag:s11] =	ssyncadd.s32 $0xFFFF8000  }
0x3b: {  	[tilespmem:s2], [sflag:$0x1] =	stream.strided.gather [hbm4b:s29+s4], $0x8000, s12, s4, $0x38;
	[tilespmem:$0x10000] =	vst v63  }
0x3c: {  	_ =	swait.ge [sflag:s9], $0x8000  }
0x3d: {  	[sflag:s9] =	ssyncset.done $0x0  }
0x3e: {  	s29 =	rddreg [dreg:$0xc];
	[sflag:s9] =	ssyncadd.s32 $0xFFFF8000  }
0x3f: {  	[tilespmem:s14], [sflag:$0x2] =	stream.strided.gather [hbm4b:s29+s4], $0x8000, s12, s4, $0x38;
	[tilespmem:$0x10000] =	vst v63  }
0x40: {  	_ =	swait.ge [sflag:s11], $0x8000  }
0x41: {  	[sflag:s11] =	ssyncset.done $0x0  }
0x42: {  	s29 =	rddreg [dreg:$0xd];
	[sflag:s11] =	ssyncadd.s32 $0xFFFF8000  }
0x43: {  	[tilespmem:s2], [sflag:$0x1] =	stream.strided.gather [hbm4b:s29+s4], $0x8000, s12, s4, $0x38;
	[tilespmem:$0x10000] =	vst v63  }
0x44: {  	_ =	swait.ge [sflag:s9], $0x8000  }
0x45: {  	[sflag:s9] =	ssyncset.done $0x0  }
0x46: {  	s29 =	rddreg [dreg:$0xe];
	[sflag:s9] =	ssyncadd.s32 $0xFFFF8000  }
0x47: {  	[tilespmem:s14], [sflag:$0x2] =	stream.strided.gather [hbm4b:s29+s4], $0x8000, s12, s4, $0x38;
	[tilespmem:$0x10000] =	vst v63  }
0x48: {  	_ =	swait.ge [sflag:s11], $0x8000  }
0x49: {  	[sflag:s11] =	ssyncset.done $0x0  }
0x4a: {  	s29 =	rddreg [dreg:$0xf];
	[sflag:s11] =	ssyncadd.s32 $0xFFFF8000  }
0x4b: {  	[tilespmem:s2], [sflag:$0x1] =	stream.strided.gather [hbm4b:s29+s4], $0x8000, s12, s4, $0x38;
	[tilespmem:$0x10000] =	vst v63  }
0x4c: {  	_ =	swait.ge [sflag:s9], $0x8000  }
0x4d: {  	[sflag:s9] =	ssyncset.done $0x0  }
0x4e: {  	s29 =	rddreg [dreg:$0x10];
	[sflag:s9] =	ssyncadd.s32 $0xFFFF8000  }
0x4f: {  	[tilespmem:s14], [sflag:$0x2] =	stream.strided.gather [hbm4b:s29+s4], $0x8000, s12, s4, $0x38;
	[tilespmem:$0x10000] =	vst v63  }
0x50: {  	_ =	swait.ge [sflag:s11], $0x8000  }
0x51: {  	[sflag:s11] =	ssyncset.done $0x0  }
0x52: {  	[sflag:s11] =	ssyncadd.s32 $0xFFFF8000  }
0x53: {  	[tilespmem:s2], [sflag:$0x1] =	stream.strided.gather [hbm4b:s28+s4], $0x8000, s12, s4, $0x38;
	[tilespmem:$0x10000] =	vst v63  }
0x54: {  	_ =	swait.ge [sflag:s9], $0x8000  }
0x55: {  	[sflag:s9] =	ssyncset.done $0x0  }
0x56: {  	[sflag:s9] =	ssyncadd.s32 $0xFFFF8000  }
0x57: {  	[tilespmem:s14], [sflag:$0x2] =	stream.strided.gather [hbm4b:s26+s4], $0x8000, s12, s4, $0x38;
	[tilespmem:$0x10000] =	vst v63  }
0x58: {  	_ =	swait.ge [sflag:s11], $0x8000  }
0x59: {  	[sflag:s11] =	ssyncset.done $0x0  }
0x5a: {  	[sflag:s11] =	ssyncadd.s32 $0xFFFF8000  }
0x5b: {  	[tilespmem:s2], [sflag:$0x1] =	stream.strided.gather [hbm4b:s25+s4], $0x8000, s12, s4, $0x38;
	[tilespmem:$0x10000] =	vst v63  }
0x5c: {  	_ =	swait.ge [sflag:s9], $0x8000  }
0x5d: {  	[sflag:s9] =	ssyncset.done $0x0  }
0x5e: {  	[sflag:s9] =	ssyncadd.s32 $0xFFFF8000  }
0x5f: {  	[tilespmem:s14], [sflag:$0x2] =	stream.strided.gather [hbm4b:s24+s4], $0x8000, s12, s4, $0x38;
	[tilespmem:$0x10000] =	vst v63  }
0x60: {  	_ =	swait.ge [sflag:s11], $0x8000  }
0x61: {  	[sflag:s11] =	ssyncset.done $0x0  }
0x62: {  	[sflag:s11] =	ssyncadd.s32 $0xFFFF8000  }
0x63: {  	[tilespmem:s2], [sflag:$0x1] =	stream.strided.gather [hbm4b:s23+s4], $0x8000, s12, s4, $0x38;
	[tilespmem:$0x10000] =	vst v63  }
0x64: {  	_ =	swait.ge [sflag:s9], $0x8000  }
0x65: {  	[sflag:s9] =	ssyncset.done $0x0  }
0x66: {  	[sflag:s9] =	ssyncadd.s32 $0xFFFF8000  }
0x67: {  	[tilespmem:s14], [sflag:$0x2] =	stream.strided.gather [hbm4b:s22+s4], $0x8000, s12, s4, $0x38;
	[tilespmem:$0x10000] =	vst v63  }
0x68: {  	_ =	swait.ge [sflag:s11], $0x8000  }
0x69: {  	[sflag:s11] =	ssyncset.done $0x0  }
0x6a: {  	[sflag:s11] =	ssyncadd.s32 $0xFFFF8000  }
0x6b: {  	[tilespmem:s2], [sflag:$0x1] =	stream.strided.gather [hbm4b:s21+s4], $0x8000, s12, s4, $0x38;
	[tilespmem:$0x10000] =	vst v63  }
0x6c: {  	_ =	swait.ge [sflag:s9], $0x8000  }
0x6d: {  	[sflag:s9] =	ssyncset.done $0x0  }
0x6e: {  	[sflag:s9] =	ssyncadd.s32 $0xFFFF8000  }
0x6f: {  	[tilespmem:s14], [sflag:$0x2] =	stream.strided.gather [hbm4b:s20+s4], $0x8000, s12, s4, $0x38;
	[tilespmem:$0x10000] =	vst v63  }
0x70: {  	_ =	swait.ge [sflag:s11], $0x8000  }
0x71: {  	[sflag:s11] =	ssyncset.done $0x0  }
0x72: {  	[sflag:s11] =	ssyncadd.s32 $0xFFFF8000  }
0x73: {  	[tilespmem:s2], [sflag:$0x1] =	stream.strided.gather [hbm4b:s19+s4], $0x8000, s12, s4, $0x38;
	[tilespmem:$0x10000] =	vst v63  }
0x74: {  	_ =	swait.ge [sflag:s9], $0x8000  }
0x75: {  	[sflag:s9] =	ssyncset.done $0x0  }
0x76: {  	[sflag:s9] =	ssyncadd.s32 $0xFFFF8000  }
0x77: {  	[tilespmem:s14], [sflag:$0x2] =	stream.strided.gather [hbm4b:s18+s4], $0x8000, s12, s4, $0x38;
	[tilespmem:$0x10000] =	vst v63  }
0x78: {  	_ =	swait.ge [sflag:s11], $0x8000  }
0x79: {  	[sflag:s11] =	ssyncset.done $0x0  }
0x7a: {  	[sflag:s11] =	ssyncadd.s32 $0xFFFF8000  }
0x7b: {  	[tilespmem:s2], [sflag:$0x1] =	stream.strided.gather [hbm4b:s17+s4], $0x8000, s12, s4, $0x38;
	[tilespmem:$0x10000] =	vst v63  }
0x7c: {  	_ =	swait.ge [sflag:s9], $0x8000  }
0x7d: {  	[sflag:s9] =	ssyncset.done $0x0  }
0x7e: {  	[sflag:s9] =	ssyncadd.s32 $0xFFFF8000  }
0x7f: {  	[tilespmem:s14], [sflag:$0x2] =	stream.strided.gather [hbm4b:s16+s4], $0x8000, s12, s4, $0x38;
	[tilespmem:$0x10000] =	vst v63  }
0x80: {  	_ =	swait.ge [sflag:s11], $0x8000  }
0x81: {  	[sflag:s11] =	ssyncset.done $0x0  }
0x82: {  	[sflag:s11] =	ssyncadd.s32 $0xFFFF8000  }
0x83: {  	[tilespmem:s2], [sflag:$0x1] =	stream.strided.gather [hbm4b:s15+s4], $0x8000, s12, s4, $0x38;
	[tilespmem:$0x10000] =	vst v63  }
0x84: {  	_ =	swait.ge [sflag:s9], $0x8000  }
0x85: {  	[sflag:s9] =	ssyncset.done $0x0  }
0x86: {  	[sflag:s9] =	ssyncadd.s32 $0xFFFF8000  }
0x87: {  	[tilespmem:s14], [sflag:$0x2] =	stream.strided.gather [hbm4b:s13+s4], $0x8000, s12, s4, $0x38;
	[tilespmem:$0x10000] =	vst v63  }
0x88: {  	_ =	swait.ge [sflag:s11], $0x8000  }
0x89: {  	[sflag:s11] =	ssyncset.done $0x0  }
0x8a: {  	[sflag:s11] =	ssyncadd.s32 $0xFFFF8000  }
0x8b: {  	[tilespmem:s2], [sflag:$0x1] =	stream.strided.gather [hbm4b:s10+s4], $0x8000, s12, s4, $0x38;
	[tilespmem:$0x10000] =	vst v63  }
0x8c: {  	_ =	swait.ge [sflag:s9], $0x8000  }
0x8d: {  	[sflag:s9] =	ssyncset.done $0x0  }
0x8e: {  	[sflag:s9] =	ssyncadd.s32 $0xFFFF8000  }
0x8f: {  	[tilespmem:s14], [sflag:$0x2] =	stream.strided.gather [hbm4b:s7+s4], $0x8000, s12, s4, $0x38;
	[tilespmem:$0x10000] =	vst v63  }
0x90: {  	_ =	swait.ge [sflag:s11], $0x8000  }
0x91: {  	[sflag:s11] =	ssyncset.done $0x0  }
0x92: {  	[sflag:s11] =	ssyncadd.s32 $0xFFFF8000  }
0x93: {  	_ =	swait.ge [sflag:s9], $0x8000  }
0x94: {  	[sflag:s9] =	ssyncset.done $0x0  }
0x95: {  	[sflag:s9] =	ssyncadd.s32 $0xFFFF8000  }
0x96: {  	[hbm4b:s3+s2] =	stream.linear.scatter [tilespmem:s2], [sflag:$0x3], $0x1000, $0x38;
	[tilespmem:$0x10000] =	vst v63  }
0x97: {  	s29 =	sadd.s32 $0x4000, s3  }
0x98: {  	[hbm4b:s29+s2] =	stream.linear.scatter [tilespmem:s4], [sflag:$0x3], $0x1000, $0x38;
	[tilespmem:$0x10000] =	vst v63  }
0x99: {  	p1 =	sne.s32 s1, $0x1;
	s30 =	sadd.s32 $0x8000, s3  }
0x9a: {  	[hbm4b:s30+s2] =	stream.linear.scatter [tilespmem:s8], [sflag:$0x3], $0x1000, $0x38;
	[tilespmem:$0x10000] =	vst v63  }
.Ltmp1:
0x9b: {  	_ = 	snop;
	(pc) =	sbr.rel @!p1 .LBB2_2-.Ltmp1, $4  }
0x9c: {  	s31 =	sadd.s32 $0xC000, s3  }
0x9d: {  	[hbm4b:s31+s2] =	stream.linear.scatter [tilespmem:s6], [sflag:$0x3], $0x1000, $0x38;
	[tilespmem:$0x10000] =	vst v63  }
0x9e: {  	_ =	swait.ge [sflag:s5], $0x4000  }
0x9f: {  	s1 =	sadd.s32 $0xFFFFFFFF, s1;
	p0 =	por $0x1, $0x1;
	[sflag:s5] =	ssyncset.done $0x0  }
.LBB2_3:
0xa0: {  	s0 =	rddreg [dreg:$0x3];
	[sflag:s5] =	ssyncadd.s32 $0xFFFFC000  }
0xa1: {  	[tilespmem:s2], [sflag:$0x1] =	stream.strided.gather [hbm4b:s0+s4], $0x8000, s12, s4, $0x38;
	[tilespmem:$0x10000] =	vst v63  }
0xa2: {  	s6 =	rddreg [dreg:$0x4]  }
0xa3: {  	[tilespmem:s14], [sflag:$0x2] =	stream.strided.gather [hbm4b:s6+s4], $0x8000, s12, s4, $0x38;
	[tilespmem:$0x10000] =	vst v63  }
0xa4: {  	_ =	swait.ge [sflag:s11], $0x8000  }
0xa5: {  	[sflag:s11] =	ssyncset.done $0x0  }
0xa6: {  	s0 =	rddreg [dreg:$0x5];
	[sflag:s11] =	ssyncadd.s32 $0xFFFF8000  }
0xa7: {  	[tilespmem:s2], [sflag:$0x1] =	stream.strided.gather [hbm4b:s0+s4], $0x8000, s12, s4, $0x38;
	[tilespmem:$0x10000] =	vst v63  }
0xa8: {  	_ =	swait.ge [sflag:s9], $0x8000  }
0xa9: {  	[sflag:s9] =	ssyncset.done $0x0  }
0xaa: {  	s0 =	rddreg [dreg:$0x6];
	[sflag:s9] =	ssyncadd.s32 $0xFFFF8000  }
0xab: {  	[tilespmem:s14], [sflag:$0x2] =	stream.strided.gather [hbm4b:s0+s4], $0x8000, s12, s4, $0x38;
	[tilespmem:$0x10000] =	vst v63  }
0xac: {  	_ =	swait.ge [sflag:s11], $0x8000  }
0xad: {  	[sflag:s11] =	ssyncset.done $0x0  }
0xae: {  	s0 =	rddreg [dreg:$0x7];
	[sflag:s11] =	ssyncadd.s32 $0xFFFF8000  }
0xaf: {  	[tilespmem:s2], [sflag:$0x1] =	stream.strided.gather [hbm4b:s0+s4], $0x8000, s12, s4, $0x38;
	[tilespmem:$0x10000] =	vst v63  }
0xb0: {  	_ =	swait.ge [sflag:s9], $0x8000  }
0xb1: {  	[sflag:s9] =	ssyncset.done $0x0  }
0xb2: {  	s0 =	rddreg [dreg:$0x8];
	[sflag:s9] =	ssyncadd.s32 $0xFFFF8000  }
0xb3: {  	[tilespmem:s14], [sflag:$0x2] =	stream.strided.gather [hbm4b:s0+s4], $0x8000, s12, s4, $0x38;
	[tilespmem:$0x10000] =	vst v63  }
0xb4: {  	_ =	swait.ge [sflag:s11], $0x8000  }
0xb5: {  	[sflag:s11] =	ssyncset.done $0x0  }
0xb6: {  	s0 =	rddreg [dreg:$0x9];
	[sflag:s11] =	ssyncadd.s32 $0xFFFF8000  }
0xb7: {  	[tilespmem:s2], [sflag:$0x1] =	stream.strided.gather [hbm4b:s0+s4], $0x8000, s12, s4, $0x38;
	[tilespmem:$0x10000] =	vst v63  }
0xb8: {  	_ =	swait.ge [sflag:s9], $0x8000  }
0xb9: {  	[sflag:s9] =	ssyncset.done $0x0  }
0xba: {  	s0 =	rddreg [dreg:$0xa];
	[sflag:s9] =	ssyncadd.s32 $0xFFFF8000  }
0xbb: {  	[tilespmem:s14], [sflag:$0x2] =	stream.strided.gather [hbm4b:s0+s4], $0x8000, s12, s4, $0x38;
	[tilespmem:$0x10000] =	vst v63  }
0xbc: {  	_ =	swait.ge [sflag:s11], $0x8000  }
0xbd: {  	[sflag:s11] =	ssyncset.done $0x0  }
0xbe: {  	s0 =	rddreg [dreg:$0xb];
	[sflag:s11] =	ssyncadd.s32 $0xFFFF8000  }
0xbf: {  	[tilespmem:s2], [sflag:$0x1] =	stream.strided.gather [hbm4b:s0+s4], $0x8000, s12, s4, $0x38;
	[tilespmem:$0x10000] =	vst v63  }
0xc0: {  	_ =	swait.ge [sflag:s9], $0x8000  }
0xc1: {  	[sflag:s9] =	ssyncset.done $0x0  }
0xc2: {  	s0 =	rddreg [dreg:$0xc];
	[sflag:s9] =	ssyncadd.s32 $0xFFFF8000  }
0xc3: {  	[tilespmem:s14], [sflag:$0x2] =	stream.strided.gather [hbm4b:s0+s4], $0x8000, s12, s4, $0x38;
	[tilespmem:$0x10000] =	vst v63  }
0xc4: {  	_ =	swait.ge [sflag:s11], $0x8000  }
0xc5: {  	[sflag:s11] =	ssyncset.done $0x0  }
0xc6: {  	s0 =	rddreg [dreg:$0xd];
	[sflag:s11] =	ssyncadd.s32 $0xFFFF8000  }
0xc7: {  	[tilespmem:s2], [sflag:$0x1] =	stream.strided.gather [hbm4b:s0+s4], $0x8000, s12, s4, $0x38;
	[tilespmem:$0x10000] =	vst v63  }
0xc8: {  	_ =	swait.ge [sflag:s9], $0x8000  }
0xc9: {  	[sflag:s9] =	ssyncset.done $0x0  }
0xca: {  	s0 =	rddreg [dreg:$0xe];
	[sflag:s9] =	ssyncadd.s32 $0xFFFF8000  }
0xcb: {  	[tilespmem:s14], [sflag:$0x2] =	stream.strided.gather [hbm4b:s0+s4], $0x8000, s12, s4, $0x38;
	[tilespmem:$0x10000] =	vst v63  }
0xcc: {  	_ =	swait.ge [sflag:s11], $0x8000  }
0xcd: {  	[sflag:s11] =	ssyncset.done $0x0  }
0xce: {  	s0 =	rddreg [dreg:$0xf];
	[sflag:s11] =	ssyncadd.s32 $0xFFFF8000  }
0xcf: {  	[tilespmem:s2], [sflag:$0x1] =	stream.strided.gather [hbm4b:s0+s4], $0x8000, s12, s4, $0x38;
	[tilespmem:$0x10000] =	vst v63  }
0xd0: {  	_ =	swait.ge [sflag:s9], $0x8000  }
0xd1: {  	[sflag:s9] =	ssyncset.done $0x0  }
0xd2: {  	s0 =	rddreg [dreg:$0x10];
	[sflag:s9] =	ssyncadd.s32 $0xFFFF8000  }
0xd3: {  	[tilespmem:s14], [sflag:$0x2] =	stream.strided.gather [hbm4b:s0+s4], $0x8000, s12, s4, $0x38;
	[tilespmem:$0x10000] =	vst v63  }
0xd4: {  	_ =	swait.ge [sflag:s11], $0x8000  }
0xd5: {  	[sflag:s11] =	ssyncset.done $0x0  }
0xd6: {  	[sflag:s11] =	ssyncadd.s32 $0xFFFF8000  }
0xd7: {  	[tilespmem:s2], [sflag:$0x1] =	stream.strided.gather [hbm4b:s28+s4], $0x8000, s12, s4, $0x38;
	[tilespmem:$0x10000] =	vst v63  }
0xd8: {  	_ =	swait.ge [sflag:s9], $0x8000  }
0xd9: {  	[sflag:s9] =	ssyncset.done $0x0  }
0xda: {  	[sflag:s9] =	ssyncadd.s32 $0xFFFF8000  }
0xdb: {  	[tilespmem:s14], [sflag:$0x2] =	stream.strided.gather [hbm4b:s26+s4], $0x8000, s12, s4, $0x38;
	[tilespmem:$0x10000] =	vst v63  }
0xdc: {  	_ =	swait.ge [sflag:s11], $0x8000  }
0xdd: {  	[sflag:s11] =	ssyncset.done $0x0  }
0xde: {  	[sflag:s11] =	ssyncadd.s32 $0xFFFF8000  }
0xdf: {  	[tilespmem:s2], [sflag:$0x1] =	stream.strided.gather [hbm4b:s25+s4], $0x8000, s12, s4, $0x38;
	[tilespmem:$0x10000] =	vst v63  }
0xe0: {  	_ =	swait.ge [sflag:s9], $0x8000  }
0xe1: {  	[sflag:s9] =	ssyncset.done $0x0  }
0xe2: {  	[sflag:s9] =	ssyncadd.s32 $0xFFFF8000  }
0xe3: {  	[tilespmem:s14], [sflag:$0x2] =	stream.strided.gather [hbm4b:s24+s4], $0x8000, s12, s4, $0x38;
	[tilespmem:$0x10000] =	vst v63  }
0xe4: {  	_ =	swait.ge [sflag:s11], $0x8000  }
0xe5: {  	[sflag:s11] =	ssyncset.done $0x0  }
0xe6: {  	[sflag:s11] =	ssyncadd.s32 $0xFFFF8000  }
0xe7: {  	[tilespmem:s2], [sflag:$0x1] =	stream.strided.gather [hbm4b:s23+s4], $0x8000, s12, s4, $0x38;
	[tilespmem:$0x10000] =	vst v63  }
0xe8: {  	_ =	swait.ge [sflag:s9], $0x8000  }
0xe9: {  	[sflag:s9] =	ssyncset.done $0x0  }
0xea: {  	[sflag:s9] =	ssyncadd.s32 $0xFFFF8000  }
0xeb: {  	[tilespmem:s14], [sflag:$0x2] =	stream.strided.gather [hbm4b:s22+s4], $0x8000, s12, s4, $0x38;
	[tilespmem:$0x10000] =	vst v63  }
0xec: {  	_ =	swait.ge [sflag:s11], $0x8000  }
0xed: {  	[sflag:s11] =	ssyncset.done $0x0  }
0xee: {  	[sflag:s11] =	ssyncadd.s32 $0xFFFF8000  }
0xef: {  	[tilespmem:s2], [sflag:$0x1] =	stream.strided.gather [hbm4b:s21+s4], $0x8000, s12, s4, $0x38;
	[tilespmem:$0x10000] =	vst v63  }
0xf0: {  	_ =	swait.ge [sflag:s9], $0x8000  }
0xf1: {  	[sflag:s9] =	ssyncset.done $0x0  }
0xf2: {  	[sflag:s9] =	ssyncadd.s32 $0xFFFF8000  }
0xf3: {  	[tilespmem:s14], [sflag:$0x2] =	stream.strided.gather [hbm4b:s20+s4], $0x8000, s12, s4, $0x38;
	[tilespmem:$0x10000] =	vst v63  }
0xf4: {  	_ =	swait.ge [sflag:s11], $0x8000  }
0xf5: {  	[sflag:s11] =	ssyncset.done $0x0  }
0xf6: {  	[sflag:s11] =	ssyncadd.s32 $0xFFFF8000  }
0xf7: {  	[tilespmem:s2], [sflag:$0x1] =	stream.strided.gather [hbm4b:s19+s4], $0x8000, s12, s4, $0x38;
	[tilespmem:$0x10000] =	vst v63  }
0xf8: {  	_ =	swait.ge [sflag:s9], $0x8000  }
0xf9: {  	[sflag:s9] =	ssyncset.done $0x0  }
0xfa: {  	[sflag:s9] =	ssyncadd.s32 $0xFFFF8000  }
0xfb: {  	[tilespmem:s14], [sflag:$0x2] =	stream.strided.gather [hbm4b:s18+s4], $0x8000, s12, s4, $0x38;
	[tilespmem:$0x10000] =	vst v63  }
0xfc: {  	_ =	swait.ge [sflag:s11], $0x8000  }
0xfd: {  	[sflag:s11] =	ssyncset.done $0x0  }
0xfe: {  	[sflag:s11] =	ssyncadd.s32 $0xFFFF8000  }
0xff: {  	[tilespmem:s2], [sflag:$0x1] =	stream.strided.gather [hbm4b:s17+s4], $0x8000, s12, s4, $0x38;
	[tilespmem:$0x10000] =	vst v63  }
0x100: {  	_ =	swait.ge [sflag:s9], $0x8000  }
0x101: {  	[sflag:s9] =	ssyncset.done $0x0  }
0x102: {  	[sflag:s9] =	ssyncadd.s32 $0xFFFF8000  }
0x103: {  	[tilespmem:s14], [sflag:$0x2] =	stream.strided.gather [hbm4b:s16+s4], $0x8000, s12, s4, $0x38;
	[tilespmem:$0x10000] =	vst v63  }
0x104: {  	_ =	swait.ge [sflag:s11], $0x8000  }
0x105: {  	[sflag:s11] =	ssyncset.done $0x0  }
0x106: {  	[sflag:s11] =	ssyncadd.s32 $0xFFFF8000  }
0x107: {  	[tilespmem:s2], [sflag:$0x1] =	stream.strided.gather [hbm4b:s15+s4], $0x8000, s12, s4, $0x38;
	[tilespmem:$0x10000] =	vst v63  }
0x108: {  	_ =	swait.ge [sflag:s9], $0x8000  }
0x109: {  	[sflag:s9] =	ssyncset.done $0x0  }
0x10a: {  	[sflag:s9] =	ssyncadd.s32 $0xFFFF8000  }
0x10b: {  	[tilespmem:s14], [sflag:$0x2] =	stream.strided.gather [hbm4b:s13+s4], $0x8000, s12, s4, $0x38;
	[tilespmem:$0x10000] =	vst v63  }
0x10c: {  	_ =	swait.ge [sflag:s11], $0x8000  }
0x10d: {  	[sflag:s11] =	ssyncset.done $0x0  }
0x10e: {  	[sflag:s11] =	ssyncadd.s32 $0xFFFF8000  }
0x10f: {  	[tilespmem:s2], [sflag:$0x1] =	stream.strided.gather [hbm4b:s10+s4], $0x8000, s12, s4, $0x38;
	[tilespmem:$0x10000] =	vst v63  }
0x110: {  	_ =	swait.ge [sflag:s9], $0x8000  }
0x111: {  	[sflag:s9] =	ssyncset.done $0x0  }
0x112: {  	[sflag:s9] =	ssyncadd.s32 $0xFFFF8000  }
0x113: {  	[tilespmem:s14], [sflag:$0x2] =	stream.strided.gather [hbm4b:s7+s4], $0x8000, s12, s4, $0x38;
	[tilespmem:$0x10000] =	vst v63  }
0x114: {  	_ =	swait.ge [sflag:s11], $0x8000  }
0x115: {  	[sflag:s11] =	ssyncset.done $0x0  }
0x116: {  	[sflag:s11] =	ssyncadd.s32 $0xFFFF8000  }
0x117: {  	_ =	swait.ge [sflag:s9], $0x8000  }
0x118: {  	[sflag:s9] =	ssyncset.done $0x0  }
0x119: {  	[sflag:s9] =	ssyncadd.s32 $0xFFFF8000  }
0x11a: {  	[hbm4b:s3+s2] =	stream.linear.scatter [tilespmem:s2], [sflag:$0x3], $0x1000, $0x38;
	[tilespmem:$0x10000] =	vst v63  }
0x11b: {  	_ = 	snop  }
0x11c: {  	[hbm4b:s29+s2] =	stream.linear.scatter [tilespmem:s4], [sflag:$0x3], $0x1000, $0x38;
	[tilespmem:$0x10000] =	vst v63  }
0x11d: {  	p1 =	sne.s32 s1, $0x1  }
0x11e: {  	[hbm4b:s30+s2] =	stream.linear.scatter [tilespmem:s8], [sflag:$0x3], $0x1000, $0x38;
	[tilespmem:$0x10000] =	vst v63  }
.Ltmp2:
0x11f: {  	_ = 	snop;
	(pc) =	sbr.rel @p1 .LBB2_3-.Ltmp2, $4  }
0x120: {  	s6 =	simm.s32 $0x6000  }
0x121: {  	[hbm4b:s31+s2] =	stream.linear.scatter [tilespmem:s6], [sflag:$0x3], $0x1000, $0x38;
	[tilespmem:$0x10000] =	vst v63  }
0x122: {  	_ =	swait.ge [sflag:s5], $0x4000  }
0x123: {  	s1 =	sadd.s32 $0xFFFFFFFF, s1;
	[sflag:s5] =	ssyncset.done $0x0  }
0x124: {  	s29 =	stileid.u32;
	s30 =	rddreg [dreg:$0x2]  }
.LBB2_5:
0x125: {  	s0 =	rddreg [dreg:$0x3];
	[sflag:s5] =	ssyncadd.s32 @p0 $0xFFFFC000  }
0x126: {  	[tilespmem:s2], [sflag:$0x1] =	stream.strided.gather [hbm4b:s0+s4], $0x8000, s12, s4, $0x38;
	[tilespmem:$0x10000] =	vst v63  }
0x127: {  	s1 =	rddreg [dreg:$0x4]  }
0x128: {  	[tilespmem:s14], [sflag:$0x2] =	stream.strided.gather [hbm4b:s1+s4], $0x8000, s12, s4, $0x38;
	[tilespmem:$0x10000] =	vst v63  }
0x129: {  	_ =	swait.ge [sflag:s11], $0x8000  }
0x12a: {  	[sflag:s11] =	ssyncset.done $0x0  }
0x12b: {  	s31 =	rddreg [dreg:$0x5];
	[sflag:s11] =	ssyncadd.s32 $0xFFFF8000  }
0x12c: {  	[tilespmem:s2], [sflag:$0x1] =	stream.strided.gather [hbm4b:s31+s4], $0x8000, s12, s4, $0x38;
	[tilespmem:$0x10000] =	vst v63  }
0x12d: {  	_ =	swait.ge [sflag:s9], $0x8000  }
0x12e: {  	[sflag:s9] =	ssyncset.done $0x0  }
0x12f: {  	s1 =	rddreg [dreg:$0x6];
	[sflag:s9] =	ssyncadd.s32 $0xFFFF8000  }
0x130: {  	[tilespmem:s14], [sflag:$0x2] =	stream.strided.gather [hbm4b:s1+s4], $0x8000, s12, s4, $0x38;
	[tilespmem:$0x10000] =	vst v63  }
0x131: {  	_ =	swait.ge [sflag:s11], $0x8000  }
0x132: {  	[sflag:s11] =	ssyncset.done $0x0  }
0x133: {  	s31 =	rddreg [dreg:$0x7];
	[sflag:s11] =	ssyncadd.s32 $0xFFFF8000  }
0x134: {  	[tilespmem:s2], [sflag:$0x1] =	stream.strided.gather [hbm4b:s31+s4], $0x8000, s12, s4, $0x38;
	[tilespmem:$0x10000] =	vst v63  }
0x135: {  	_ =	swait.ge [sflag:s9], $0x8000  }
0x136: {  	[sflag:s9] =	ssyncset.done $0x0  }
0x137: {  	s1 =	rddreg [dreg:$0x8];
	[sflag:s9] =	ssyncadd.s32 $0xFFFF8000  }
0x138: {  	[tilespmem:s14], [sflag:$0x2] =	stream.strided.gather [hbm4b:s1+s4], $0x8000, s12, s4, $0x38;
	[tilespmem:$0x10000] =	vst v63  }
0x139: {  	_ =	swait.ge [sflag:s11], $0x8000  }
0x13a: {  	[sflag:s11] =	ssyncset.done $0x0  }
0x13b: {  	s31 =	rddreg [dreg:$0x9];
	[sflag:s11] =	ssyncadd.s32 $0xFFFF8000  }
0x13c: {  	[tilespmem:s2], [sflag:$0x1] =	stream.strided.gather [hbm4b:s31+s4], $0x8000, s12, s4, $0x38;
	[tilespmem:$0x10000] =	vst v63  }
0x13d: {  	_ =	swait.ge [sflag:s9], $0x8000  }
0x13e: {  	[sflag:s9] =	ssyncset.done $0x0  }
0x13f: {  	s1 =	rddreg [dreg:$0xa];
	[sflag:s9] =	ssyncadd.s32 $0xFFFF8000  }
0x140: {  	[tilespmem:s14], [sflag:$0x2] =	stream.strided.gather [hbm4b:s1+s4], $0x8000, s12, s4, $0x38;
	[tilespmem:$0x10000] =	vst v63  }
0x141: {  	_ =	swait.ge [sflag:s11], $0x8000  }
0x142: {  	[sflag:s11] =	ssyncset.done $0x0  }
0x143: {  	s31 =	rddreg [dreg:$0xb];
	[sflag:s11] =	ssyncadd.s32 $0xFFFF8000  }
0x144: {  	[tilespmem:s2], [sflag:$0x1] =	stream.strided.gather [hbm4b:s31+s4], $0x8000, s12, s4, $0x38;
	[tilespmem:$0x10000] =	vst v63  }
0x145: {  	_ =	swait.ge [sflag:s9], $0x8000  }
0x146: {  	[sflag:s9] =	ssyncset.done $0x0  }
0x147: {  	s1 =	rddreg [dreg:$0xc];
	[sflag:s9] =	ssyncadd.s32 $0xFFFF8000  }
0x148: {  	[tilespmem:s14], [sflag:$0x2] =	stream.strided.gather [hbm4b:s1+s4], $0x8000, s12, s4, $0x38;
	[tilespmem:$0x10000] =	vst v63  }
0x149: {  	_ =	swait.ge [sflag:s11], $0x8000  }
0x14a: {  	[sflag:s11] =	ssyncset.done $0x0  }
0x14b: {  	s31 =	rddreg [dreg:$0xd];
	[sflag:s11] =	ssyncadd.s32 $0xFFFF8000  }
0x14c: {  	[tilespmem:s2], [sflag:$0x1] =	stream.strided.gather [hbm4b:s31+s4], $0x8000, s12, s4, $0x38;
	[tilespmem:$0x10000] =	vst v63  }
0x14d: {  	_ =	swait.ge [sflag:s9], $0x8000  }
0x14e: {  	[sflag:s9] =	ssyncset.done $0x0  }
0x14f: {  	s1 =	rddreg [dreg:$0xe];
	[sflag:s9] =	ssyncadd.s32 $0xFFFF8000  }
0x150: {  	[tilespmem:s14], [sflag:$0x2] =	stream.strided.gather [hbm4b:s1+s4], $0x8000, s12, s4, $0x38;
	[tilespmem:$0x10000] =	vst v63  }
0x151: {  	_ =	swait.ge [sflag:s11], $0x8000  }
0x152: {  	[sflag:s11] =	ssyncset.done $0x0  }
0x153: {  	s31 =	rddreg [dreg:$0xf];
	[sflag:s11] =	ssyncadd.s32 $0xFFFF8000  }
0x154: {  	[tilespmem:s2], [sflag:$0x1] =	stream.strided.gather [hbm4b:s31+s4], $0x8000, s12, s4, $0x38;
	[tilespmem:$0x10000] =	vst v63  }
0x155: {  	_ =	swait.ge [sflag:s9], $0x8000  }
0x156: {  	[sflag:s9] =	ssyncset.done $0x0  }
0x157: {  	s1 =	rddreg [dreg:$0x10];
	[sflag:s9] =	ssyncadd.s32 $0xFFFF8000  }
0x158: {  	[tilespmem:s14], [sflag:$0x2] =	stream.strided.gather [hbm4b:s1+s4], $0x8000, s12, s4, $0x38;
	[tilespmem:$0x10000] =	vst v63  }
0x159: {  	_ =	swait.ge [sflag:s11], $0x8000  }
0x15a: {  	[sflag:s11] =	ssyncset.done $0x0  }
0x15b: {  	[sflag:s11] =	ssyncadd.s32 $0xFFFF8000  }
0x15c: {  	[tilespmem:s2], [sflag:$0x1] =	stream.strided.gather [hbm4b:s28+s4], $0x8000, s12, s4, $0x38;
	[tilespmem:$0x10000] =	vst v63  }
0x15d: {  	_ =	swait.ge [sflag:s9], $0x8000  }
0x15e: {  	[sflag:s9] =	ssyncset.done $0x0  }
0x15f: {  	[sflag:s9] =	ssyncadd.s32 $0xFFFF8000  }
0x160: {  	[tilespmem:s14], [sflag:$0x2] =	stream.strided.gather [hbm4b:s26+s4], $0x8000, s12, s4, $0x38;
	[tilespmem:$0x10000] =	vst v63  }
0x161: {  	_ =	swait.ge [sflag:s11], $0x8000  }
0x162: {  	[sflag:s11] =	ssyncset.done $0x0  }
0x163: {  	[sflag:s11] =	ssyncadd.s32 $0xFFFF8000  }
0x164: {  	[tilespmem:s2], [sflag:$0x1] =	stream.strided.gather [hbm4b:s25+s4], $0x8000, s12, s4, $0x38;
	[tilespmem:$0x10000] =	vst v63  }
0x165: {  	_ =	swait.ge [sflag:s9], $0x8000  }
0x166: {  	[sflag:s9] =	ssyncset.done $0x0  }
0x167: {  	[sflag:s9] =	ssyncadd.s32 $0xFFFF8000  }
0x168: {  	[tilespmem:s14], [sflag:$0x2] =	stream.strided.gather [hbm4b:s24+s4], $0x8000, s12, s4, $0x38;
	[tilespmem:$0x10000] =	vst v63  }
0x169: {  	_ =	swait.ge [sflag:s11], $0x8000  }
0x16a: {  	[sflag:s11] =	ssyncset.done $0x0  }
0x16b: {  	[sflag:s11] =	ssyncadd.s32 $0xFFFF8000  }
0x16c: {  	[tilespmem:s2], [sflag:$0x1] =	stream.strided.gather [hbm4b:s23+s4], $0x8000, s12, s4, $0x38;
	[tilespmem:$0x10000] =	vst v63  }
0x16d: {  	_ =	swait.ge [sflag:s9], $0x8000  }
0x16e: {  	[sflag:s9] =	ssyncset.done $0x0  }
0x16f: {  	[sflag:s9] =	ssyncadd.s32 $0xFFFF8000  }
0x170: {  	[tilespmem:s14], [sflag:$0x2] =	stream.strided.gather [hbm4b:s22+s4], $0x8000, s12, s4, $0x38;
	[tilespmem:$0x10000] =	vst v63  }
0x171: {  	_ =	swait.ge [sflag:s11], $0x8000  }
0x172: {  	[sflag:s11] =	ssyncset.done $0x0  }
0x173: {  	[sflag:s11] =	ssyncadd.s32 $0xFFFF8000  }
0x174: {  	[tilespmem:s2], [sflag:$0x1] =	stream.strided.gather [hbm4b:s21+s4], $0x8000, s12, s4, $0x38;
	[tilespmem:$0x10000] =	vst v63  }
0x175: {  	_ =	swait.ge [sflag:s9], $0x8000  }
0x176: {  	[sflag:s9] =	ssyncset.done $0x0  }
0x177: {  	[sflag:s9] =	ssyncadd.s32 $0xFFFF8000  }
0x178: {  	[tilespmem:s14], [sflag:$0x2] =	stream.strided.gather [hbm4b:s20+s4], $0x8000, s12, s4, $0x38;
	[tilespmem:$0x10000] =	vst v63  }
0x179: {  	_ =	swait.ge [sflag:s11], $0x8000  }
0x17a: {  	[sflag:s11] =	ssyncset.done $0x0  }
0x17b: {  	[sflag:s11] =	ssyncadd.s32 $0xFFFF8000  }
0x17c: {  	[tilespmem:s2], [sflag:$0x1] =	stream.strided.gather [hbm4b:s19+s4], $0x8000, s12, s4, $0x38;
	[tilespmem:$0x10000] =	vst v63  }
0x17d: {  	_ =	swait.ge [sflag:s9], $0x8000  }
0x17e: {  	[sflag:s9] =	ssyncset.done $0x0  }
0x17f: {  	[sflag:s9] =	ssyncadd.s32 $0xFFFF8000  }
0x180: {  	[tilespmem:s14], [sflag:$0x2] =	stream.strided.gather [hbm4b:s18+s4], $0x8000, s12, s4, $0x38;
	[tilespmem:$0x10000] =	vst v63  }
0x181: {  	_ =	swait.ge [sflag:s11], $0x8000  }
0x182: {  	[sflag:s11] =	ssyncset.done $0x0  }
0x183: {  	[sflag:s11] =	ssyncadd.s32 $0xFFFF8000  }
0x184: {  	[tilespmem:s2], [sflag:$0x1] =	stream.strided.gather [hbm4b:s17+s4], $0x8000, s12, s4, $0x38;
	[tilespmem:$0x10000] =	vst v63  }
0x185: {  	_ =	swait.ge [sflag:s9], $0x8000  }
0x186: {  	[sflag:s9] =	ssyncset.done $0x0  }
0x187: {  	[sflag:s9] =	ssyncadd.s32 $0xFFFF8000  }
0x188: {  	[tilespmem:s14], [sflag:$0x2] =	stream.strided.gather [hbm4b:s16+s4], $0x8000, s12, s4, $0x38;
	[tilespmem:$0x10000] =	vst v63  }
0x189: {  	_ =	swait.ge [sflag:s11], $0x8000  }
0x18a: {  	[sflag:s11] =	ssyncset.done $0x0  }
0x18b: {  	[sflag:s11] =	ssyncadd.s32 $0xFFFF8000  }
0x18c: {  	[tilespmem:s2], [sflag:$0x1] =	stream.strided.gather [hbm4b:s15+s4], $0x8000, s12, s4, $0x38;
	[tilespmem:$0x10000] =	vst v63  }
0x18d: {  	_ =	swait.ge [sflag:s9], $0x8000  }
0x18e: {  	[sflag:s9] =	ssyncset.done $0x0  }
0x18f: {  	[sflag:s9] =	ssyncadd.s32 $0xFFFF8000  }
0x190: {  	[tilespmem:s14], [sflag:$0x2] =	stream.strided.gather [hbm4b:s13+s4], $0x8000, s12, s4, $0x38;
	[tilespmem:$0x10000] =	vst v63  }
0x191: {  	_ =	swait.ge [sflag:s11], $0x8000  }
0x192: {  	[sflag:s11] =	ssyncset.done $0x0  }
0x193: {  	[sflag:s11] =	ssyncadd.s32 $0xFFFF8000  }
0x194: {  	[tilespmem:s2], [sflag:$0x1] =	stream.strided.gather [hbm4b:s10+s4], $0x8000, s12, s4, $0x38;
	[tilespmem:$0x10000] =	vst v63  }
0x195: {  	_ =	swait.ge [sflag:s9], $0x8000  }
0x196: {  	[sflag:s9] =	ssyncset.done $0x0  }
0x197: {  	[sflag:s9] =	ssyncadd.s32 $0xFFFF8000  }
0x198: {  	[tilespmem:s14], [sflag:$0x2] =	stream.strided.gather [hbm4b:s7+s4], $0x8000, s12, s4, $0x38;
	[tilespmem:$0x10000] =	vst v63  }
0x199: {  	_ =	swait.ge [sflag:s11], $0x8000  }
0x19a: {  	[sflag:s11] =	ssyncset.done $0x0  }
0x19b: {  	[sflag:s11] =	ssyncadd.s32 $0xFFFF8000  }
0x19c: {  	_ =	swait.ge [sflag:s9], $0x8000  }
0x19d: {  	[sflag:s9] =	ssyncset.done $0x0  }
0x19e: {  	[sflag:s9] =	ssyncadd.s32 $0xFFFF8000  }
0x19f: {  	[hbm4b:s3+s2] =	stream.linear.scatter [tilespmem:s2], [sflag:$0x3], $0x1000, $0x38;
	[tilespmem:$0x10000] =	vst v63  }
0x1a0: {  	s26 =	sadd.s32 $0x4000, s3  }
0x1a1: {  	[hbm4b:s26+s2] =	stream.linear.scatter [tilespmem:s4], [sflag:$0x3], $0x1000, $0x38;
	[tilespmem:$0x10000] =	vst v63  }
0x1a2: {  	s28 =	sadd.s32 $0x8000, s3  }
0x1a3: {  	[hbm4b:s28+s2] =	stream.linear.scatter [tilespmem:s8], [sflag:$0x3], $0x1000, $0x38;
	[tilespmem:$0x10000] =	vst v63  }
0x1a4: {  	s31 =	sadd.s32 $0xC000, s3  }
0x1a5: {  	[hbm4b:s31+s2] =	stream.linear.scatter [tilespmem:s6], [sflag:$0x3], $0x1000, $0x38;
	[tilespmem:$0x10000] =	vst v63  }
0x1a6: {  	_ =	swait.ge [sflag:s5], $0x4000  }
0x1a7: {  	[sflag:s5] =	ssyncset.done $0x0  }
0x1a8: {  	[sflag:s5] =	ssyncadd.s32 $0xFFFFC000  }
0x1a9: {  	_ =	sfence.sel $0x180000  }
0x1aa: {  	[bflag:$0x0] =	sbarrier.arrive $0xFFFF  }
0x1ab: {  	p0 =	sne.s32 s29, $0x0;
	_ =	strace $0x9000004A  }
0x1ac: {  	s0 =	sadd.s32 @!p0 $0x100000, s30;
	[bflag:$0x2] =	sbarrier.arrive $0xFFFF  }
0x1ad: {  	[sflag:s0] =	ssyncadd.tile.s32 @!p0 $0x1;
	_ =	shalt  }
.LBB2_2:
.Ltmp3:
0x1ae: {  	(pc) =	sbr.rel .LBB2_5-.Ltmp3, $2  }
0x1af: {  	_ =	sdelay $0x2  }
0x1b0: {  	s29 =	stileid.u32;
	s30 =	rddreg [dreg:$0x2]  }
.Lfunc_end2:
_tile_overlayer_lowered:
.L_overlay_start_2:
0x1b1: {  	(tag) =	ssettag $0x2  }
0x1b2: {  	s0 =	rddreg [dreg:$0x0];
	s2 =	stileid.u32  }
0x1b3: {  	s1 =	rddreg [dreg:$0x1];
	p0 =	sne.s32 s2, $0x0  }
0x1b4: {  	s3 =	rddreg [dreg:$0x2];
	[bflag:$0x3] =	sbarrier.arrive $0xFFFF;
	s2 =	simm.s32 @!p0 $0x1C03  }
0x1b5: {  	[timem:s3], [sflag:s2] =	dma.local @!p0 [hbm:s0], s1  }
0x1b6: {  	s0 =	simm.s32 @!p0 $0x3  }
0x1b7: {  	_ =	swait.ge @!p0 [sflag:s0], s1  }
0x1b8: {  	s1 =	ssub.s32 @!p0 $0x0, s1;
	[sflag:s0] =	ssyncset.done @!p0 $0x0  }
0x1b9: {  	[sflag:s0] =	ssyncadd.s32 @!p0 s1  }
0x1ba: {  	[bflag:$0x3] =	sbarrier.arrive $0xFFFF  }
0x1bb: {  	_ =	shalt  }

</sc_bundles>
